<compile_context>
chip_gen: v7x
topology: tpu7x:2x2x1
jax: 0.10.2.dev20260603
libtpu: 0.0.44.dev20260713+nightly
codegen_flags: <defaults>
</compile_context>

<pallas_src>
import jax
import jax.numpy as jnp
from jax import lax
from jax.experimental import pallas as pl
from jax.experimental.pallas import tpu as pltpu
from jax.experimental.pallas import tpu_sc as plsc

B = 4096
L = 200
D = 32
NC = 2
NS = 16
NW = NC * NS

BH = B * L
ROWS_B = B // NW
HPW = ROWS_B * L
NB_C = 2
CH = NB_C * L
NCHUNK = ROWS_B // NB_C
NBODY = NCHUNK // 2


def _body(uid, iid, cid, hid, hcd, w_user, w_item, w_cate,
          user_out, item_out, hist_out,
          idx_b, rows_b, xi, xc, rows_i, rows_c,
          sem_b, sem_gi0, sem_gi1, sem_gc0, sem_gc1,
          sem_wi0, sem_wi1, sem_wc0, sem_wc1):
    wid = lax.axis_index("s") * NC + lax.axis_index("c")
    base = wid * ROWS_B

    def small_lookup(ids2d, table, out_ref, col):
        pltpu.sync_copy(ids2d.at[pl.ds(wid, 1)], idx_b)
        pltpu.async_copy(table.at[idx_b.at[0]], rows_b, sem_b).wait()
        pltpu.sync_copy(rows_b, out_ref.at[pl.ds(base, ROWS_B), pl.ds(col, D)])

    small_lookup(uid, w_user, user_out, 0)
    small_lookup(iid, w_item, item_out, 0)
    small_lookup(cid, w_cate, item_out, D)

    pltpu.sync_copy(hid.at[pl.ds(base, ROWS_B), pl.ds(0, L)], xi)
    pltpu.sync_copy(hcd.at[pl.ds(base, ROWS_B), pl.ds(0, L)], xc)


    def fires(table, xblk, slot, c, rows_ref, sem):
        cps = []
        for bb in range(NB_C):
            b = c * NB_C + bb
            rb = slot * NB_C + bb
            cps.append(pltpu.async_copy(
                table.at[xblk.at[b, pl.ds(0, 128)]],
                rows_ref.at[rb, pl.ds(0, 128)], sem))
            cps.append(pltpu.async_copy(
                table.at[xblk.at[b, pl.ds(128, L - 128)]],
                rows_ref.at[rb, pl.ds(128, L - 128)], sem))
        return cps

    def write_cp(rows_ref, slot, c, col, sem):
        return pltpu.make_async_copy(
            rows_ref.at[pl.ds(slot * NB_C, NB_C)],
            hist_out.at[pl.ds(base + c * NB_C, NB_C), pl.ds(0, L),
                        pl.ds(col, D)],
            sem)

    def body(g, carry):
        c0 = 2 * g
        c1 = 2 * g + 1
        @pl.when(g > 0)
        def _():
            write_cp(rows_i, 0, c0 - 2, 0, sem_wi0).wait()
        gi0 = fires(w_item, xi, 0, c0, rows_i, sem_gi0)

        @pl.when(g > 0)
        def _():
            write_cp(rows_c, 0, c0 - 2, D, sem_wc0).wait()
        gc0 = fires(w_cate, xc, 0, c0, rows_c, sem_gc0)

        @pl.when(g > 0)
        def _():
            write_cp(rows_i, 1, c1 - 2, 0, sem_wi1).wait()
        gi1 = fires(w_item, xi, 1, c1, rows_i, sem_gi1)

        @pl.when(g > 0)
        def _():
            write_cp(rows_c, 1, c1 - 2, D, sem_wc1).wait()
        gc1 = fires(w_cate, xc, 1, c1, rows_c, sem_gc1)

        for cp in gi0:
            cp.wait()
        write_cp(rows_i, 0, c0, 0, sem_wi0).start()
        for cp in gc0:
            cp.wait()
        write_cp(rows_c, 0, c0, D, sem_wc0).start()
        for cp in gi1:
            cp.wait()
        write_cp(rows_i, 1, c1, 0, sem_wi1).start()
        for cp in gc1:
            cp.wait()
        write_cp(rows_c, 1, c1, D, sem_wc1).start()
        return carry

    lax.fori_loop(0, NBODY, body, 0)

    write_cp(rows_i, 0, NCHUNK - 2, 0, sem_wi0).wait()
    write_cp(rows_c, 0, NCHUNK - 2, D, sem_wc0).wait()
    write_cp(rows_i, 1, NCHUNK - 1, 0, sem_wi1).wait()
    write_cp(rows_c, 1, NCHUNK - 1, D, sem_wc1).wait()


@jax.jit
def _run(uid, iid, cid, hid, hcd, w_user, w_item, w_cate):
    kern = pl.kernel(
        _body,
        out_type=[
            jax.ShapeDtypeStruct((B, D), jnp.float32),
            jax.ShapeDtypeStruct((B, 2 * D), jnp.float32),
            jax.ShapeDtypeStruct((B, L, 2 * D), jnp.float32),
        ],
        mesh=plsc.VectorSubcoreMesh(core_axis_name="c", subcore_axis_name="s"),
        compiler_params=pltpu.CompilerParams(use_tc_tiling_on_sc=False),
        scratch_types=[
            pltpu.VMEM((1, 128), jnp.int32),
            pltpu.VMEM((128, D), jnp.float32),
            pltpu.VMEM((ROWS_B, L), jnp.int32),
            pltpu.VMEM((ROWS_B, L), jnp.int32),
            pltpu.VMEM((2 * NB_C, L, D), jnp.float32),
            pltpu.VMEM((2 * NB_C, L, D), jnp.float32),
        ] + [pltpu.SemaphoreType.DMA] * 9,
    )
    user_emb, item_emb, hist = kern(
        uid, iid, cid, hid, hcd, w_user, w_item, w_cate)
    return user_emb, item_emb, hist


def kernel(user_id, item_id, cate_id, hist_item_id, hist_cate_id,
           W_user_id, W_item_id, W_cate_id):
    uid = user_id.astype(jnp.int32).reshape(NW, ROWS_B)
    iid = item_id.astype(jnp.int32).reshape(NW, ROWS_B)
    cid = cate_id.astype(jnp.int32).reshape(NW, ROWS_B)
    hid = hist_item_id.astype(jnp.int32)
    hcd = hist_cate_id.astype(jnp.int32)
    user_emb, item_emb, hist = _run(
        uid, iid, cid, hid, hcd, W_user_id, W_item_id, W_cate_id)
    return user_emb, item_emb, hist

# --- scband reference (transcript-rebuilt; emitter-appended) ---
"""Pipeline reference for scband-embedding-layer-39195871543878 (READ-ONLY COPY).

The authoritative reference and input builder live on the scoring server;
editing this copy changes nothing except your own understanding.
"""

import jax, jax.numpy as jnp
import numpy as np

B = 4096
L = 200
D = 32
V_USER = 1000000
V_ITEM = 1000000
V_CATE = 100000


def setup_inputs(seed: int = 0) -> dict:
    key = jax.random.key(seed)
    ks = jax.random.split(key, 8)
    user_id = jax.random.randint(ks[0], (B,), 0, V_USER, dtype=jnp.int32).astype(jnp.int64)
    item_id = jax.random.randint(ks[1], (B,), 0, V_ITEM, dtype=jnp.int32).astype(jnp.int64)
    cate_id = jax.random.randint(ks[2], (B,), 0, V_CATE, dtype=jnp.int32).astype(jnp.int64)
    hist_item_id = jax.random.randint(ks[3], (B, L), 0, V_ITEM, dtype=jnp.int32).astype(jnp.int64)
    hist_cate_id = jax.random.randint(ks[4], (B, L), 0, V_CATE, dtype=jnp.int32).astype(jnp.int64)
    W_user_id = jax.random.normal(ks[5], (V_USER, D), dtype=jnp.float32) * 0.02
    W_item_id = jax.random.normal(ks[6], (V_ITEM, D), dtype=jnp.float32) * 0.02
    W_cate_id = jax.random.normal(ks[7], (V_CATE, D), dtype=jnp.float32) * 0.02
    # padding_idx=0: row 0 is zeros, as in nn.Embedding(padding_idx=0)
    W_user_id = W_user_id.at[0].set(0.0)
    W_item_id = W_item_id.at[0].set(0.0)
    W_cate_id = W_cate_id.at[0].set(0.0)
    return {
        "user_id": user_id,
        "item_id": item_id,
        "cate_id": cate_id,
        "hist_item_id": hist_item_id,
        "hist_cate_id": hist_cate_id,
        "W_user_id": W_user_id,
        "W_item_id": W_item_id,
        "W_cate_id": W_cate_id,
    }


def reference(user_id, item_id, cate_id, hist_item_id, hist_cate_id,
              W_user_id, W_item_id, W_cate_id):
    # item cols: item_id, cate_id -> [B, D] each, cat along dim=1 -> [B, 2D]
    item_emb = jnp.concatenate([
        jnp.take(W_item_id, item_id, axis=0),
        jnp.take(W_cate_id, cate_id, axis=0),
    ], axis=1)
    # squeeze(1) is a no-op for a [B, 2D] tensor
    # user cols: user_id -> [B, D]
    user_emb = jnp.take(W_user_id, user_id, axis=0)
    # history cols share tables with item cols: [B, L, D] each -> [B, L, 2D]
    history_emb = jnp.concatenate([
        jnp.take(W_item_id, hist_item_id, axis=0),
        jnp.take(W_cate_id, hist_cate_id, axis=0),
    ], axis=-1)
    return (user_emb, item_emb, history_emb)

if __name__ == "__main__":
    import jax
    _d = setup_inputs()
    print(jax.jit(kernel)(*tuple(_d.values())))

</pallas_src>

<mosaic_0001>
#map = affine_map<(d0, d1) -> (0, 0)>
#map1 = affine_map<(d0, d1) -> (0, 0, 0)>
module attributes {stable_mosaic.version = 14 : i64} {
  func.func @_body(%arg0: i32, %arg1: i32, %arg2: memref<32x128xi32, #tpu.memory_space<hbm>>, %arg3: memref<32x128xi32, #tpu.memory_space<hbm>>, %arg4: memref<32x128xi32, #tpu.memory_space<hbm>>, %arg5: memref<4096x200xi32, #tpu.memory_space<hbm>>, %arg6: memref<4096x200xi32, #tpu.memory_space<hbm>>, %arg7: memref<1000000x32xf32, #tpu.memory_space<hbm>>, %arg8: memref<1000000x32xf32, #tpu.memory_space<hbm>>, %arg9: memref<100000x32xf32, #tpu.memory_space<hbm>>, %arg10: memref<4096x32xf32, #tpu.memory_space<hbm>>, %arg11: memref<4096x64xf32, #tpu.memory_space<hbm>>, %arg12: memref<4096x200x64xf32, #tpu.memory_space<hbm>>, %arg13: memref<1x128xi32, #tpu.memory_space<vmem>>, %arg14: memref<128x32xf32, #tpu.memory_space<vmem>>, %arg15: memref<128x200xi32, #tpu.memory_space<vmem>>, %arg16: memref<128x200xi32, #tpu.memory_space<vmem>>, %arg17: memref<4x200x32xf32, #tpu.memory_space<vmem>>, %arg18: memref<4x200x32xf32, #tpu.memory_space<vmem>>, %arg19: memref<!tpu.dma_semaphore, #tpu.memory_space<semaphore_mem>>, %arg20: memref<!tpu.dma_semaphore, #tpu.memory_space<semaphore_mem>>, %arg21: memref<!tpu.dma_semaphore, #tpu.memory_space<semaphore_mem>>, %arg22: memref<!tpu.dma_semaphore, #tpu.memory_space<semaphore_mem>>, %arg23: memref<!tpu.dma_semaphore, #tpu.memory_space<semaphore_mem>>, %arg24: memref<!tpu.dma_semaphore, #tpu.memory_space<semaphore_mem>>, %arg25: memref<!tpu.dma_semaphore, #tpu.memory_space<semaphore_mem>>, %arg26: memref<!tpu.dma_semaphore, #tpu.memory_space<semaphore_mem>>, %arg27: memref<!tpu.dma_semaphore, #tpu.memory_space<semaphore_mem>>) attributes {dimension_semantics = [#tpu.dimension_semantics<core_parallel>, #tpu.dimension_semantics<subcore_parallel>], iteration_bounds = array<i64: 2, 16>, scalar_prefetch = 0 : i64, scratch_operands = 15 : i64, tpu.core_type = #tpu.core_type<sc_vector_subcore>, window_params = [{transform_indices = #map}, {transform_indices = #map}, {transform_indices = #map}, {transform_indices = #map}, {transform_indices = #map}, {transform_indices = #map}, {transform_indices = #map}, {transform_indices = #map}, {transform_indices = #map}, {transform_indices = #map}, {transform_indices = #map1}]} {
    %mul3A = arith.constant 2 : i32
    %mul3A_0 = arith.muli %arg1, %mul3A : i32
    %add3A = arith.addi %mul3A_0, %arg0 : i32
    %mul3A_1 = arith.constant 128 : i32
    %mul3A_2 = arith.muli %add3A, %mul3A_1 : i32
    "tpu.region"() ({
      %run_scoped3A = tpu.sem_alloc : memref<!tpu.dma_semaphore, #tpu.memory_space<semaphore_mem>>
      %dma_start3A_112 = arith.constant 0 : i32
      %dma_start3A_113 = tpu.memref_slice %arg2[%add3A, %dma_start3A_112] : memref<32x128xi32, #tpu.memory_space<hbm>> -> memref<1x128xi32, #tpu.memory_space<hbm>>
      %dma_start3A_114 = arith.constant 0 : i32
      %dma_start3A_115 = tpu.memref_slice %arg2[%add3A, %dma_start3A_114] : memref<32x128xi32, #tpu.memory_space<hbm>> -> memref<1x128xi32, #tpu.memory_space<hbm>>
      tpu.enqueue_dma source(%dma_start3A_115 : memref<1x128xi32, #tpu.memory_space<hbm>>) target(%arg13 : memref<1x128xi32, #tpu.memory_space<vmem>>) target_semaphore(%run_scoped3A : memref<!tpu.dma_semaphore, #tpu.memory_space<semaphore_mem>>)
      %dma_wait3A_116 = arith.constant 0 : i32
      %dma_wait3A_117 = tpu.memref_slice %arg2[%add3A, %dma_wait3A_116] : memref<32x128xi32, #tpu.memory_space<hbm>> -> memref<1x128xi32, #tpu.memory_space<hbm>>
      %dma_wait3A_118 = arith.constant 0 : i32
      %dma_wait3A_119 = tpu.memref_slice %arg2[%add3A, %dma_wait3A_118] : memref<32x128xi32, #tpu.memory_space<hbm>> -> memref<1x128xi32, #tpu.memory_space<hbm>>
      tpu.wait_dma2 semaphore(%run_scoped3A : memref<!tpu.dma_semaphore, #tpu.memory_space<semaphore_mem>>) src(%dma_wait3A_119 : memref<1x128xi32, #tpu.memory_space<hbm>>) dst(%arg13 : memref<1x128xi32, #tpu.memory_space<vmem>>)
      tpu.yield
    }) : () -> ()
    %dma_start3A = arith.constant 0 : i32
    %dma_start3A_3 = arith.constant 0 : i32
    %dma_start3A_4 = tpu.memref_slice %arg13[%dma_start3A, %dma_start3A_3] : memref<1x128xi32, #tpu.memory_space<vmem>> -> memref<1x128xi32, #tpu.memory_space<vmem>>
    %dma_start3A_5 = tpu.memref_squeeze %dma_start3A_4 : memref<1x128xi32, #tpu.memory_space<vmem>> -> memref<128xi32, #tpu.memory_space<vmem>>
    %dma_start3A_6 = arith.constant 0 : i32
    %dma_start3A_7 = arith.constant 0 : i32
    %dma_start3A_8 = tpu.memref_slice %arg7[%dma_start3A_6, %dma_start3A_7] : memref<1000000x32xf32, #tpu.memory_space<hbm>> -> memref<1000000x32xf32, #tpu.memory_space<hbm>>
    tpu.enqueue_indirect_dma source(%dma_start3A_8 : memref<1000000x32xf32, #tpu.memory_space<hbm>>) target(%arg14 : memref<128x32xf32, #tpu.memory_space<vmem>>) offsets(%dma_start3A_5 : memref<128xi32, #tpu.memory_space<vmem>>) semaphore(%arg19 : memref<!tpu.dma_semaphore, #tpu.memory_space<semaphore_mem>>)
    %dma_wait3A = arith.constant 0 : i32
    %dma_wait3A_9 = arith.constant 0 : i32
    %dma_wait3A_10 = tpu.memref_slice %arg13[%dma_wait3A, %dma_wait3A_9] : memref<1x128xi32, #tpu.memory_space<vmem>> -> memref<1x128xi32, #tpu.memory_space<vmem>>
    %dma_wait3A_11 = tpu.memref_squeeze %dma_wait3A_10 : memref<1x128xi32, #tpu.memory_space<vmem>> -> memref<128xi32, #tpu.memory_space<vmem>>
    %dma_wait3A_12 = arith.constant 0 : i32
    %dma_wait3A_13 = arith.constant 0 : i32
    %dma_wait3A_14 = tpu.memref_slice %arg7[%dma_wait3A_12, %dma_wait3A_13] : memref<1000000x32xf32, #tpu.memory_space<hbm>> -> memref<1000000x32xf32, #tpu.memory_space<hbm>>
    tpu.wait_indirect_dma semaphore(%arg19 : memref<!tpu.dma_semaphore, #tpu.memory_space<semaphore_mem>>) src(%dma_wait3A_14 : memref<1000000x32xf32, #tpu.memory_space<hbm>>) dst(%arg14 : memref<128x32xf32, #tpu.memory_space<vmem>>)
    "tpu.region"() ({
      %run_scoped3A = tpu.sem_alloc : memref<!tpu.dma_semaphore, #tpu.memory_space<semaphore_mem>>
      %dma_start3A_112 = arith.constant 0 : i32
      %dma_start3A_113 = tpu.memref_slice %arg10[%mul3A_2, %dma_start3A_112] : memref<4096x32xf32, #tpu.memory_space<hbm>> -> memref<128x32xf32, #tpu.memory_space<hbm>>
      %dma_start3A_114 = arith.constant 0 : i32
      %dma_start3A_115 = tpu.memref_slice %arg10[%mul3A_2, %dma_start3A_114] : memref<4096x32xf32, #tpu.memory_space<hbm>> -> memref<128x32xf32, #tpu.memory_space<hbm>>
      tpu.enqueue_dma source(%arg14 : memref<128x32xf32, #tpu.memory_space<vmem>>) target(%dma_start3A_115 : memref<128x32xf32, #tpu.memory_space<hbm>>) target_semaphore(%run_scoped3A : memref<!tpu.dma_semaphore, #tpu.memory_space<semaphore_mem>>)
      %dma_wait3A_116 = arith.constant 0 : i32
      %dma_wait3A_117 = tpu.memref_slice %arg10[%mul3A_2, %dma_wait3A_116] : memref<4096x32xf32, #tpu.memory_space<hbm>> -> memref<128x32xf32, #tpu.memory_space<hbm>>
      %dma_wait3A_118 = arith.constant 0 : i32
      %dma_wait3A_119 = tpu.memref_slice %arg10[%mul3A_2, %dma_wait3A_118] : memref<4096x32xf32, #tpu.memory_space<hbm>> -> memref<128x32xf32, #tpu.memory_space<hbm>>
      tpu.wait_dma2 semaphore(%run_scoped3A : memref<!tpu.dma_semaphore, #tpu.memory_space<semaphore_mem>>) src(%arg14 : memref<128x32xf32, #tpu.memory_space<vmem>>) dst(%dma_wait3A_119 : memref<128x32xf32, #tpu.memory_space<hbm>>)
      tpu.yield
    }) : () -> ()
    "tpu.region"() ({
      %run_scoped3A = tpu.sem_alloc : memref<!tpu.dma_semaphore, #tpu.memory_space<semaphore_mem>>
      %dma_start3A_112 = arith.constant 0 : i32
      %dma_start3A_113 = tpu.memref_slice %arg3[%add3A, %dma_start3A_112] : memref<32x128xi32, #tpu.memory_space<hbm>> -> memref<1x128xi32, #tpu.memory_space<hbm>>
      %dma_start3A_114 = arith.constant 0 : i32
      %dma_start3A_115 = tpu.memref_slice %arg3[%add3A, %dma_start3A_114] : memref<32x128xi32, #tpu.memory_space<hbm>> -> memref<1x128xi32, #tpu.memory_space<hbm>>
      tpu.enqueue_dma source(%dma_start3A_115 : memref<1x128xi32, #tpu.memory_space<hbm>>) target(%arg13 : memref<1x128xi32, #tpu.memory_space<vmem>>) target_semaphore(%run_scoped3A : memref<!tpu.dma_semaphore, #tpu.memory_space<semaphore_mem>>)
      %dma_wait3A_116 = arith.constant 0 : i32
      %dma_wait3A_117 = tpu.memref_slice %arg3[%add3A, %dma_wait3A_116] : memref<32x128xi32, #tpu.memory_space<hbm>> -> memref<1x128xi32, #tpu.memory_space<hbm>>
      %dma_wait3A_118 = arith.constant 0 : i32
      %dma_wait3A_119 = tpu.memref_slice %arg3[%add3A, %dma_wait3A_118] : memref<32x128xi32, #tpu.memory_space<hbm>> -> memref<1x128xi32, #tpu.memory_space<hbm>>
      tpu.wait_dma2 semaphore(%run_scoped3A : memref<!tpu.dma_semaphore, #tpu.memory_space<semaphore_mem>>) src(%dma_wait3A_119 : memref<1x128xi32, #tpu.memory_space<hbm>>) dst(%arg13 : memref<1x128xi32, #tpu.memory_space<vmem>>)
      tpu.yield
    }) : () -> ()
    %dma_start3A_15 = arith.constant 0 : i32
    %dma_start3A_16 = arith.constant 0 : i32
    %dma_start3A_17 = tpu.memref_slice %arg13[%dma_start3A_15, %dma_start3A_16] : memref<1x128xi32, #tpu.memory_space<vmem>> -> memref<1x128xi32, #tpu.memory_space<vmem>>
    %dma_start3A_18 = tpu.memref_squeeze %dma_start3A_17 : memref<1x128xi32, #tpu.memory_space<vmem>> -> memref<128xi32, #tpu.memory_space<vmem>>
    %dma_start3A_19 = arith.constant 0 : i32
    %dma_start3A_20 = arith.constant 0 : i32
    %dma_start3A_21 = tpu.memref_slice %arg8[%dma_start3A_19, %dma_start3A_20] : memref<1000000x32xf32, #tpu.memory_space<hbm>> -> memref<1000000x32xf32, #tpu.memory_space<hbm>>
    tpu.enqueue_indirect_dma source(%dma_start3A_21 : memref<1000000x32xf32, #tpu.memory_space<hbm>>) target(%arg14 : memref<128x32xf32, #tpu.memory_space<vmem>>) offsets(%dma_start3A_18 : memref<128xi32, #tpu.memory_space<vmem>>) semaphore(%arg19 : memref<!tpu.dma_semaphore, #tpu.memory_space<semaphore_mem>>)
    %dma_wait3A_22 = arith.constant 0 : i32
    %dma_wait3A_23 = arith.constant 0 : i32
    %dma_wait3A_24 = tpu.memref_slice %arg13[%dma_wait3A_22, %dma_wait3A_23] : memref<1x128xi32, #tpu.memory_space<vmem>> -> memref<1x128xi32, #tpu.memory_space<vmem>>
    %dma_wait3A_25 = tpu.memref_squeeze %dma_wait3A_24 : memref<1x128xi32, #tpu.memory_space<vmem>> -> memref<128xi32, #tpu.memory_space<vmem>>
    %dma_wait3A_26 = arith.constant 0 : i32
    %dma_wait3A_27 = arith.constant 0 : i32
    %dma_wait3A_28 = tpu.memref_slice %arg8[%dma_wait3A_26, %dma_wait3A_27] : memref<1000000x32xf32, #tpu.memory_space<hbm>> -> memref<1000000x32xf32, #tpu.memory_space<hbm>>
    tpu.wait_indirect_dma semaphore(%arg19 : memref<!tpu.dma_semaphore, #tpu.memory_space<semaphore_mem>>) src(%dma_wait3A_28 : memref<1000000x32xf32, #tpu.memory_space<hbm>>) dst(%arg14 : memref<128x32xf32, #tpu.memory_space<vmem>>)
    "tpu.region"() ({
      %run_scoped3A = tpu.sem_alloc : memref<!tpu.dma_semaphore, #tpu.memory_space<semaphore_mem>>
      %dma_start3A_112 = arith.constant 0 : i32
      %dma_start3A_113 = tpu.memref_slice %arg11[%mul3A_2, %dma_start3A_112] : memref<4096x64xf32, #tpu.memory_space<hbm>> -> memref<128x32xf32, #tpu.memory_space<hbm>>
      %dma_start3A_114 = arith.constant 0 : i32
      %dma_start3A_115 = tpu.memref_slice %arg11[%mul3A_2, %dma_start3A_114] : memref<4096x64xf32, #tpu.memory_space<hbm>> -> memref<128x32xf32, #tpu.memory_space<hbm>>
      tpu.enqueue_dma source(%arg14 : memref<128x32xf32, #tpu.memory_space<vmem>>) target(%dma_start3A_115 : memref<128x32xf32, #tpu.memory_space<hbm>>) target_semaphore(%run_scoped3A : memref<!tpu.dma_semaphore, #tpu.memory_space<semaphore_mem>>)
      %dma_wait3A_116 = arith.constant 0 : i32
      %dma_wait3A_117 = tpu.memref_slice %arg11[%mul3A_2, %dma_wait3A_116] : memref<4096x64xf32, #tpu.memory_space<hbm>> -> memref<128x32xf32, #tpu.memory_space<hbm>>
      %dma_wait3A_118 = arith.constant 0 : i32
      %dma_wait3A_119 = tpu.memref_slice %arg11[%mul3A_2, %dma_wait3A_118] : memref<4096x64xf32, #tpu.memory_space<hbm>> -> memref<128x32xf32, #tpu.memory_space<hbm>>
      tpu.wait_dma2 semaphore(%run_scoped3A : memref<!tpu.dma_semaphore, #tpu.memory_space<semaphore_mem>>) src(%arg14 : memref<128x32xf32, #tpu.memory_space<vmem>>) dst(%dma_wait3A_119 : memref<128x32xf32, #tpu.memory_space<hbm>>)
      tpu.yield
    }) : () -> ()
    "tpu.region"() ({
      %run_scoped3A = tpu.sem_alloc : memref<!tpu.dma_semaphore, #tpu.memory_space<semaphore_mem>>
      %dma_start3A_112 = arith.constant 0 : i32
      %dma_start3A_113 = tpu.memref_slice %arg4[%add3A, %dma_start3A_112] : memref<32x128xi32, #tpu.memory_space<hbm>> -> memref<1x128xi32, #tpu.memory_space<hbm>>
      %dma_start3A_114 = arith.constant 0 : i32
      %dma_start3A_115 = tpu.memref_slice %arg4[%add3A, %dma_start3A_114] : memref<32x128xi32, #tpu.memory_space<hbm>> -> memref<1x128xi32, #tpu.memory_space<hbm>>
      tpu.enqueue_dma source(%dma_start3A_115 : memref<1x128xi32, #tpu.memory_space<hbm>>) target(%arg13 : memref<1x128xi32, #tpu.memory_space<vmem>>) target_semaphore(%run_scoped3A : memref<!tpu.dma_semaphore, #tpu.memory_space<semaphore_mem>>)
      %dma_wait3A_116 = arith.constant 0 : i32
      %dma_wait3A_117 = tpu.memref_slice %arg4[%add3A, %dma_wait3A_116] : memref<32x128xi32, #tpu.memory_space<hbm>> -> memref<1x128xi32, #tpu.memory_space<hbm>>
      %dma_wait3A_118 = arith.constant 0 : i32
      %dma_wait3A_119 = tpu.memref_slice %arg4[%add3A, %dma_wait3A_118] : memref<32x128xi32, #tpu.memory_space<hbm>> -> memref<1x128xi32, #tpu.memory_space<hbm>>
      tpu.wait_dma2 semaphore(%run_scoped3A : memref<!tpu.dma_semaphore, #tpu.memory_space<semaphore_mem>>) src(%dma_wait3A_119 : memref<1x128xi32, #tpu.memory_space<hbm>>) dst(%arg13 : memref<1x128xi32, #tpu.memory_space<vmem>>)
      tpu.yield
    }) : () -> ()
    %dma_start3A_29 = arith.constant 0 : i32
    %dma_start3A_30 = arith.constant 0 : i32
    %dma_start3A_31 = tpu.memref_slice %arg13[%dma_start3A_29, %dma_start3A_30] : memref<1x128xi32, #tpu.memory_space<vmem>> -> memref<1x128xi32, #tpu.memory_space<vmem>>
    %dma_start3A_32 = tpu.memref_squeeze %dma_start3A_31 : memref<1x128xi32, #tpu.memory_space<vmem>> -> memref<128xi32, #tpu.memory_space<vmem>>
    %dma_start3A_33 = arith.constant 0 : i32
    %dma_start3A_34 = arith.constant 0 : i32
    %dma_start3A_35 = tpu.memref_slice %arg9[%dma_start3A_33, %dma_start3A_34] : memref<100000x32xf32, #tpu.memory_space<hbm>> -> memref<100000x32xf32, #tpu.memory_space<hbm>>
    tpu.enqueue_indirect_dma source(%dma_start3A_35 : memref<100000x32xf32, #tpu.memory_space<hbm>>) target(%arg14 : memref<128x32xf32, #tpu.memory_space<vmem>>) offsets(%dma_start3A_32 : memref<128xi32, #tpu.memory_space<vmem>>) semaphore(%arg19 : memref<!tpu.dma_semaphore, #tpu.memory_space<semaphore_mem>>)
    %dma_wait3A_36 = arith.constant 0 : i32
    %dma_wait3A_37 = arith.constant 0 : i32
    %dma_wait3A_38 = tpu.memref_slice %arg13[%dma_wait3A_36, %dma_wait3A_37] : memref<1x128xi32, #tpu.memory_space<vmem>> -> memref<1x128xi32, #tpu.memory_space<vmem>>
    %dma_wait3A_39 = tpu.memref_squeeze %dma_wait3A_38 : memref<1x128xi32, #tpu.memory_space<vmem>> -> memref<128xi32, #tpu.memory_space<vmem>>
    %dma_wait3A_40 = arith.constant 0 : i32
    %dma_wait3A_41 = arith.constant 0 : i32
    %dma_wait3A_42 = tpu.memref_slice %arg9[%dma_wait3A_40, %dma_wait3A_41] : memref<100000x32xf32, #tpu.memory_space<hbm>> -> memref<100000x32xf32, #tpu.memory_space<hbm>>
    tpu.wait_indirect_dma semaphore(%arg19 : memref<!tpu.dma_semaphore, #tpu.memory_space<semaphore_mem>>) src(%dma_wait3A_42 : memref<100000x32xf32, #tpu.memory_space<hbm>>) dst(%arg14 : memref<128x32xf32, #tpu.memory_space<vmem>>)
    "tpu.region"() ({
      %run_scoped3A = tpu.sem_alloc : memref<!tpu.dma_semaphore, #tpu.memory_space<semaphore_mem>>
      %dma_start3A_112 = arith.constant 32 : i32
      %dma_start3A_113 = tpu.memref_slice %arg11[%mul3A_2, %dma_start3A_112] : memref<4096x64xf32, #tpu.memory_space<hbm>> -> memref<128x32xf32, #tpu.memory_space<hbm>>
      %dma_start3A_114 = arith.constant 32 : i32
      %dma_start3A_115 = tpu.memref_slice %arg11[%mul3A_2, %dma_start3A_114] : memref<4096x64xf32, #tpu.memory_space<hbm>> -> memref<128x32xf32, #tpu.memory_space<hbm>>
      tpu.enqueue_dma source(%arg14 : memref<128x32xf32, #tpu.memory_space<vmem>>) target(%dma_start3A_115 : memref<128x32xf32, #tpu.memory_space<hbm>>) target_semaphore(%run_scoped3A : memref<!tpu.dma_semaphore, #tpu.memory_space<semaphore_mem>>)
      %dma_wait3A_116 = arith.constant 32 : i32
      %dma_wait3A_117 = tpu.memref_slice %arg11[%mul3A_2, %dma_wait3A_116] : memref<4096x64xf32, #tpu.memory_space<hbm>> -> memref<128x32xf32, #tpu.memory_space<hbm>>
      %dma_wait3A_118 = arith.constant 32 : i32
      %dma_wait3A_119 = tpu.memref_slice %arg11[%mul3A_2, %dma_wait3A_118] : memref<4096x64xf32, #tpu.memory_space<hbm>> -> memref<128x32xf32, #tpu.memory_space<hbm>>
      tpu.wait_dma2 semaphore(%run_scoped3A : memref<!tpu.dma_semaphore, #tpu.memory_space<semaphore_mem>>) src(%arg14 : memref<128x32xf32, #tpu.memory_space<vmem>>) dst(%dma_wait3A_119 : memref<128x32xf32, #tpu.memory_space<hbm>>)
      tpu.yield
    }) : () -> ()
    "tpu.region"() ({
      %run_scoped3A = tpu.sem_alloc : memref<!tpu.dma_semaphore, #tpu.memory_space<semaphore_mem>>
      %dma_start3A_112 = arith.constant 0 : i32
      %dma_start3A_113 = tpu.memref_slice %arg5[%mul3A_2, %dma_start3A_112] : memref<4096x200xi32, #tpu.memory_space<hbm>> -> memref<128x200xi32, #tpu.memory_space<hbm>>
      %dma_start3A_114 = arith.constant 0 : i32
      %dma_start3A_115 = tpu.memref_slice %arg5[%mul3A_2, %dma_start3A_114] : memref<4096x200xi32, #tpu.memory_space<hbm>> -> memref<128x200xi32, #tpu.memory_space<hbm>>
      tpu.enqueue_dma source(%dma_start3A_115 : memref<128x200xi32, #tpu.memory_space<hbm>>) target(%arg15 : memref<128x200xi32, #tpu.memory_space<vmem>>) target_semaphore(%run_scoped3A : memref<!tpu.dma_semaphore, #tpu.memory_space<semaphore_mem>>)
      %dma_wait3A_116 = arith.constant 0 : i32
      %dma_wait3A_117 = tpu.memref_slice %arg5[%mul3A_2, %dma_wait3A_116] : memref<4096x200xi32, #tpu.memory_space<hbm>> -> memref<128x200xi32, #tpu.memory_space<hbm>>
      %dma_wait3A_118 = arith.constant 0 : i32
      %dma_wait3A_119 = tpu.memref_slice %arg5[%mul3A_2, %dma_wait3A_118] : memref<4096x200xi32, #tpu.memory_space<hbm>> -> memref<128x200xi32, #tpu.memory_space<hbm>>
      tpu.wait_dma2 semaphore(%run_scoped3A : memref<!tpu.dma_semaphore, #tpu.memory_space<semaphore_mem>>) src(%dma_wait3A_119 : memref<128x200xi32, #tpu.memory_space<hbm>>) dst(%arg15 : memref<128x200xi32, #tpu.memory_space<vmem>>)
      tpu.yield
    }) : () -> ()
    "tpu.region"() ({
      %run_scoped3A = tpu.sem_alloc : memref<!tpu.dma_semaphore, #tpu.memory_space<semaphore_mem>>
      %dma_start3A_112 = arith.constant 0 : i32
      %dma_start3A_113 = tpu.memref_slice %arg6[%mul3A_2, %dma_start3A_112] : memref<4096x200xi32, #tpu.memory_space<hbm>> -> memref<128x200xi32, #tpu.memory_space<hbm>>
      %dma_start3A_114 = arith.constant 0 : i32
      %dma_start3A_115 = tpu.memref_slice %arg6[%mul3A_2, %dma_start3A_114] : memref<4096x200xi32, #tpu.memory_space<hbm>> -> memref<128x200xi32, #tpu.memory_space<hbm>>
      tpu.enqueue_dma source(%dma_start3A_115 : memref<128x200xi32, #tpu.memory_space<hbm>>) target(%arg16 : memref<128x200xi32, #tpu.memory_space<vmem>>) target_semaphore(%run_scoped3A : memref<!tpu.dma_semaphore, #tpu.memory_space<semaphore_mem>>)
      %dma_wait3A_116 = arith.constant 0 : i32
      %dma_wait3A_117 = tpu.memref_slice %arg6[%mul3A_2, %dma_wait3A_116] : memref<4096x200xi32, #tpu.memory_space<hbm>> -> memref<128x200xi32, #tpu.memory_space<hbm>>
      %dma_wait3A_118 = arith.constant 0 : i32
      %dma_wait3A_119 = tpu.memref_slice %arg6[%mul3A_2, %dma_wait3A_118] : memref<4096x200xi32, #tpu.memory_space<hbm>> -> memref<128x200xi32, #tpu.memory_space<hbm>>
      tpu.wait_dma2 semaphore(%run_scoped3A : memref<!tpu.dma_semaphore, #tpu.memory_space<semaphore_mem>>) src(%dma_wait3A_119 : memref<128x200xi32, #tpu.memory_space<hbm>>) dst(%arg16 : memref<128x200xi32, #tpu.memory_space<vmem>>)
      tpu.yield
    }) : () -> ()
    %scan3A = arith.constant 0 : i32
    %scan3A_43 = arith.constant 0 : i32
    %scan3A_44 = arith.constant 32 : i32
    %scan3A_45 = arith.addi %scan3A_43, %scan3A_44 : i32
    %scan3A_46 = arith.constant 1 : i32
    scf.for %scan3A_112 = %scan3A_43 to %scan3A_45 step %scan3A_46  : i32 {
      %mul3A_113 = arith.constant 2 : i32
      %mul3A_114 = arith.muli %mul3A_113, %scan3A_112 : i32
      %mul3A_115 = arith.constant 2 : i32
      %mul3A_116 = arith.muli %mul3A_115, %scan3A_112 : i32
      %add3A_117 = arith.constant 1 : i32
      %add3A_118 = arith.addi %mul3A_116, %add3A_117 : i32
      %gt3A = arith.constant 0 : i32
      %gt3A_119 = arith.cmpi sgt, %scan3A_112, %gt3A : i32
      %convert_element_type3A = arith.extui %gt3A_119 : i1 to i32
      %cond3A = arith.constant 0 : i32
      %cond3A_120 = arith.cmpi ne, %convert_element_type3A, %cond3A : i32
      scf.if %cond3A_120 {
        %sub3A = arith.constant 2 : i32
        %sub3A_588 = arith.subi %mul3A_114, %sub3A : i32
        %mul3A_589 = arith.constant 2 : i32
        %mul3A_590 = arith.muli %sub3A_588, %mul3A_589 : i32
        %add3A_591 = arith.addi %mul3A_2, %mul3A_590 : i32
        %dma_wait3A_592 = arith.constant 0 : i32
        %dma_wait3A_593 = arith.constant 0 : i32
        %dma_wait3A_594 = arith.constant 0 : i32
        %dma_wait3A_595 = tpu.memref_slice %arg17[%dma_wait3A_592, %dma_wait3A_593, %dma_wait3A_594] : memref<4x200x32xf32, #tpu.memory_space<vmem>> -> memref<2x200x32xf32, #tpu.memory_space<vmem>>
        %dma_wait3A_596 = arith.constant 0 : i32
        %dma_wait3A_597 = arith.constant 0 : i32
        %dma_wait3A_598 = tpu.memref_slice %arg12[%add3A_591, %dma_wait3A_596, %dma_wait3A_597] : memref<4096x200x64xf32, #tpu.memory_space<hbm>> -> memref<2x200x32xf32, #tpu.memory_space<hbm>>
        %dma_wait3A_599 = arith.constant 0 : i32
        %dma_wait3A_600 = arith.constant 0 : i32
        %dma_wait3A_601 = tpu.memref_slice %arg12[%add3A_591, %dma_wait3A_599, %dma_wait3A_600] : memref<4096x200x64xf32, #tpu.memory_space<hbm>> -> memref<2x200x32xf32, #tpu.memory_space<hbm>>
        %dma_wait3A_602 = arith.constant 0 : i32
        %dma_wait3A_603 = arith.constant 0 : i32
        %dma_wait3A_604 = arith.constant 0 : i32
        %dma_wait3A_605 = tpu.memref_slice %arg17[%dma_wait3A_602, %dma_wait3A_603, %dma_wait3A_604] : memref<4x200x32xf32, #tpu.memory_space<vmem>> -> memref<2x200x32xf32, #tpu.memory_space<vmem>>
        tpu.wait_dma2 semaphore(%arg24 : memref<!tpu.dma_semaphore, #tpu.memory_space<semaphore_mem>>) src(%dma_wait3A_605 : memref<2x200x32xf32, #tpu.memory_space<vmem>>) dst(%dma_wait3A_601 : memref<2x200x32xf32, #tpu.memory_space<hbm>>)
      } else {
      }
      %mul3A_121 = arith.constant 2 : i32
      %mul3A_122 = arith.muli %mul3A_114, %mul3A_121 : i32
      %add3A_123 = arith.constant 0 : i32
      %add3A_124 = arith.addi %mul3A_122, %add3A_123 : i32
      %dma_start3A_125 = arith.constant 0 : i32
      %dma_start3A_126 = arith.constant 0 : i32
      %dma_start3A_127 = arith.constant 0 : i32
      %dma_start3A_128 = tpu.memref_slice %arg17[%dma_start3A_125, %dma_start3A_126, %dma_start3A_127] : memref<4x200x32xf32, #tpu.memory_space<vmem>> -> memref<1x128x32xf32, #tpu.memory_space<vmem>>
      %dma_start3A_129 = tpu.memref_squeeze %dma_start3A_128 : memref<1x128x32xf32, #tpu.memory_space<vmem>> -> memref<128x32xf32, #tpu.memory_space<vmem>>
      %dma_start3A_130 = arith.constant 0 : i32
      %dma_start3A_131 = tpu.memref_slice %arg15[%add3A_124, %dma_start3A_130] : memref<128x200xi32, #tpu.memory_space<vmem>> -> memref<1x128xi32, #tpu.memory_space<vmem>>
      %dma_start3A_132 = tpu.memref_squeeze %dma_start3A_131 : memref<1x128xi32, #tpu.memory_space<vmem>> -> memref<128xi32, #tpu.memory_space<vmem>>
      %dma_start3A_133 = arith.constant 0 : i32
      %dma_start3A_134 = arith.constant 0 : i32
      %dma_start3A_135 = tpu.memref_slice %arg8[%dma_start3A_133, %dma_start3A_134] : memref<1000000x32xf32, #tpu.memory_space<hbm>> -> memref<1000000x32xf32, #tpu.memory_space<hbm>>
      tpu.enqueue_indirect_dma source(%dma_start3A_135 : memref<1000000x32xf32, #tpu.memory_space<hbm>>) target(%dma_start3A_129 : memref<128x32xf32, #tpu.memory_space<vmem>>) offsets(%dma_start3A_132 : memref<128xi32, #tpu.memory_space<vmem>>) semaphore(%arg20 : memref<!tpu.dma_semaphore, #tpu.memory_space<semaphore_mem>>)
      %dma_start3A_136 = arith.constant 0 : i32
      %dma_start3A_137 = arith.constant 128 : i32
      %dma_start3A_138 = arith.constant 0 : i32
      %dma_start3A_139 = tpu.memref_slice %arg17[%dma_start3A_136, %dma_start3A_137, %dma_start3A_138] : memref<4x200x32xf32, #tpu.memory_space<vmem>> -> memref<1x72x32xf32, #tpu.memory_space<vmem>>
      %dma_start3A_140 = tpu.memref_squeeze %dma_start3A_139 : memref<1x72x32xf32, #tpu.memory_space<vmem>> -> memref<72x32xf32, #tpu.memory_space<vmem>>
      %dma_start3A_141 = arith.constant 128 : i32
      %dma_start3A_142 = tpu.memref_slice %arg15[%add3A_124, %dma_start3A_141] : memref<128x200xi32, #tpu.memory_space<vmem>> -> memref<1x72xi32, #tpu.memory_space<vmem>>
      %dma_start3A_143 = tpu.memref_squeeze %dma_start3A_142 : memref<1x72xi32, #tpu.memory_space<vmem>> -> memref<72xi32, #tpu.memory_space<vmem>>
      %dma_start3A_144 = arith.constant 0 : i32
      %dma_start3A_145 = arith.constant 0 : i32
      %dma_start3A_146 = tpu.memref_slice %arg8[%dma_start3A_144, %dma_start3A_145] : memref<1000000x32xf32, #tpu.memory_space<hbm>> -> memref<1000000x32xf32, #tpu.memory_space<hbm>>
      tpu.enqueue_indirect_dma source(%dma_start3A_146 : memref<1000000x32xf32, #tpu.memory_space<hbm>>) target(%dma_start3A_140 : memref<72x32xf32, #tpu.memory_space<vmem>>) offsets(%dma_start3A_143 : memref<72xi32, #tpu.memory_space<vmem>>) semaphore(%arg20 : memref<!tpu.dma_semaphore, #tpu.memory_space<semaphore_mem>>)
      %mul3A_147 = arith.constant 2 : i32
      %mul3A_148 = arith.muli %mul3A_114, %mul3A_147 : i32
      %add3A_149 = arith.constant 1 : i32
      %add3A_150 = arith.addi %mul3A_148, %add3A_149 : i32
      %dma_start3A_151 = arith.constant 1 : i32
      %dma_start3A_152 = arith.constant 0 : i32
      %dma_start3A_153 = arith.constant 0 : i32
      %dma_start3A_154 = tpu.memref_slice %arg17[%dma_start3A_151, %dma_start3A_152, %dma_start3A_153] : memref<4x200x32xf32, #tpu.memory_space<vmem>> -> memref<1x128x32xf32, #tpu.memory_space<vmem>>
      %dma_start3A_155 = tpu.memref_squeeze %dma_start3A_154 : memref<1x128x32xf32, #tpu.memory_space<vmem>> -> memref<128x32xf32, #tpu.memory_space<vmem>>
      %dma_start3A_156 = arith.constant 0 : i32
      %dma_start3A_157 = tpu.memref_slice %arg15[%add3A_150, %dma_start3A_156] : memref<128x200xi32, #tpu.memory_space<vmem>> -> memref<1x128xi32, #tpu.memory_space<vmem>>
      %dma_start3A_158 = tpu.memref_squeeze %dma_start3A_157 : memref<1x128xi32, #tpu.memory_space<vmem>> -> memref<128xi32, #tpu.memory_space<vmem>>
      %dma_start3A_159 = arith.constant 0 : i32
      %dma_start3A_160 = arith.constant 0 : i32
      %dma_start3A_161 = tpu.memref_slice %arg8[%dma_start3A_159, %dma_start3A_160] : memref<1000000x32xf32, #tpu.memory_space<hbm>> -> memref<1000000x32xf32, #tpu.memory_space<hbm>>
      tpu.enqueue_indirect_dma source(%dma_start3A_161 : memref<1000000x32xf32, #tpu.memory_space<hbm>>) target(%dma_start3A_155 : memref<128x32xf32, #tpu.memory_space<vmem>>) offsets(%dma_start3A_158 : memref<128xi32, #tpu.memory_space<vmem>>) semaphore(%arg20 : memref<!tpu.dma_semaphore, #tpu.memory_space<semaphore_mem>>)
      %dma_start3A_162 = arith.constant 1 : i32
      %dma_start3A_163 = arith.constant 128 : i32
      %dma_start3A_164 = arith.constant 0 : i32
      %dma_start3A_165 = tpu.memref_slice %arg17[%dma_start3A_162, %dma_start3A_163, %dma_start3A_164] : memref<4x200x32xf32, #tpu.memory_space<vmem>> -> memref<1x72x32xf32, #tpu.memory_space<vmem>>
      %dma_start3A_166 = tpu.memref_squeeze %dma_start3A_165 : memref<1x72x32xf32, #tpu.memory_space<vmem>> -> memref<72x32xf32, #tpu.memory_space<vmem>>
      %dma_start3A_167 = arith.constant 128 : i32
      %dma_start3A_168 = tpu.memref_slice %arg15[%add3A_150, %dma_start3A_167] : memref<128x200xi32, #tpu.memory_space<vmem>> -> memref<1x72xi32, #tpu.memory_space<vmem>>
      %dma_start3A_169 = tpu.memref_squeeze %dma_start3A_168 : memref<1x72xi32, #tpu.memory_space<vmem>> -> memref<72xi32, #tpu.memory_space<vmem>>
      %dma_start3A_170 = arith.constant 0 : i32
      %dma_start3A_171 = arith.constant 0 : i32
      %dma_start3A_172 = tpu.memref_slice %arg8[%dma_start3A_170, %dma_start3A_171] : memref<1000000x32xf32, #tpu.memory_space<hbm>> -> memref<1000000x32xf32, #tpu.memory_space<hbm>>
      tpu.enqueue_indirect_dma source(%dma_start3A_172 : memref<1000000x32xf32, #tpu.memory_space<hbm>>) target(%dma_start3A_166 : memref<72x32xf32, #tpu.memory_space<vmem>>) offsets(%dma_start3A_169 : memref<72xi32, #tpu.memory_space<vmem>>) semaphore(%arg20 : memref<!tpu.dma_semaphore, #tpu.memory_space<semaphore_mem>>)
      %gt3A_173 = arith.constant 0 : i32
      %gt3A_174 = arith.cmpi sgt, %scan3A_112, %gt3A_173 : i32
      %convert_element_type3A_175 = arith.extui %gt3A_174 : i1 to i32
      %cond3A_176 = arith.constant 0 : i32
      %cond3A_177 = arith.cmpi ne, %convert_element_type3A_175, %cond3A_176 : i32
      scf.if %cond3A_177 {
        %sub3A = arith.constant 2 : i32
        %sub3A_588 = arith.subi %mul3A_114, %sub3A : i32
        %mul3A_589 = arith.constant 2 : i32
        %mul3A_590 = arith.muli %sub3A_588, %mul3A_589 : i32
        %add3A_591 = arith.addi %mul3A_2, %mul3A_590 : i32
        %dma_wait3A_592 = arith.constant 0 : i32
        %dma_wait3A_593 = arith.constant 0 : i32
        %dma_wait3A_594 = arith.constant 0 : i32
        %dma_wait3A_595 = tpu.memref_slice %arg18[%dma_wait3A_592, %dma_wait3A_593, %dma_wait3A_594] : memref<4x200x32xf32, #tpu.memory_space<vmem>> -> memref<2x200x32xf32, #tpu.memory_space<vmem>>
        %dma_wait3A_596 = arith.constant 0 : i32
        %dma_wait3A_597 = arith.constant 32 : i32
        %dma_wait3A_598 = tpu.memref_slice %arg12[%add3A_591, %dma_wait3A_596, %dma_wait3A_597] : memref<4096x200x64xf32, #tpu.memory_space<hbm>> -> memref<2x200x32xf32, #tpu.memory_space<hbm>>
        %dma_wait3A_599 = arith.constant 0 : i32
        %dma_wait3A_600 = arith.constant 32 : i32
        %dma_wait3A_601 = tpu.memref_slice %arg12[%add3A_591, %dma_wait3A_599, %dma_wait3A_600] : memref<4096x200x64xf32, #tpu.memory_space<hbm>> -> memref<2x200x32xf32, #tpu.memory_space<hbm>>
        %dma_wait3A_602 = arith.constant 0 : i32
        %dma_wait3A_603 = arith.constant 0 : i32
        %dma_wait3A_604 = arith.constant 0 : i32
        %dma_wait3A_605 = tpu.memref_slice %arg18[%dma_wait3A_602, %dma_wait3A_603, %dma_wait3A_604] : memref<4x200x32xf32, #tpu.memory_space<vmem>> -> memref<2x200x32xf32, #tpu.memory_space<vmem>>
        tpu.wait_dma2 semaphore(%arg26 : memref<!tpu.dma_semaphore, #tpu.memory_space<semaphore_mem>>) src(%dma_wait3A_605 : memref<2x200x32xf32, #tpu.memory_space<vmem>>) dst(%dma_wait3A_601 : memref<2x200x32xf32, #tpu.memory_space<hbm>>)
      } else {
      }
      %mul3A_178 = arith.constant 2 : i32
      %mul3A_179 = arith.muli %mul3A_114, %mul3A_178 : i32
      %add3A_180 = arith.constant 0 : i32
      %add3A_181 = arith.addi %mul3A_179, %add3A_180 : i32
      %dma_start3A_182 = arith.constant 0 : i32
      %dma_start3A_183 = arith.constant 0 : i32
      %dma_start3A_184 = arith.constant 0 : i32
      %dma_start3A_185 = tpu.memref_slice %arg18[%dma_start3A_182, %dma_start3A_183, %dma_start3A_184] : memref<4x200x32xf32, #tpu.memory_space<vmem>> -> memref<1x128x32xf32, #tpu.memory_space<vmem>>
      %dma_start3A_186 = tpu.memref_squeeze %dma_start3A_185 : memref<1x128x32xf32, #tpu.memory_space<vmem>> -> memref<128x32xf32, #tpu.memory_space<vmem>>
      %dma_start3A_187 = arith.constant 0 : i32
      %dma_start3A_188 = tpu.memref_slice %arg16[%add3A_181, %dma_start3A_187] : memref<128x200xi32, #tpu.memory_space<vmem>> -> memref<1x128xi32, #tpu.memory_space<vmem>>
      %dma_start3A_189 = tpu.memref_squeeze %dma_start3A_188 : memref<1x128xi32, #tpu.memory_space<vmem>> -> memref<128xi32, #tpu.memory_space<vmem>>
      %dma_start3A_190 = arith.constant 0 : i32
      %dma_start3A_191 = arith.constant 0 : i32
      %dma_start3A_192 = tpu.memref_slice %arg9[%dma_start3A_190, %dma_start3A_191] : memref<100000x32xf32, #tpu.memory_space<hbm>> -> memref<100000x32xf32, #tpu.memory_space<hbm>>
      tpu.enqueue_indirect_dma source(%dma_start3A_192 : memref<100000x32xf32, #tpu.memory_space<hbm>>) target(%dma_start3A_186 : memref<128x32xf32, #tpu.memory_space<vmem>>) offsets(%dma_start3A_189 : memref<128xi32, #tpu.memory_space<vmem>>) semaphore(%arg22 : memref<!tpu.dma_semaphore, #tpu.memory_space<semaphore_mem>>)
      %dma_start3A_193 = arith.constant 0 : i32
      %dma_start3A_194 = arith.constant 128 : i32
      %dma_start3A_195 = arith.constant 0 : i32
      %dma_start3A_196 = tpu.memref_slice %arg18[%dma_start3A_193, %dma_start3A_194, %dma_start3A_195] : memref<4x200x32xf32, #tpu.memory_space<vmem>> -> memref<1x72x32xf32, #tpu.memory_space<vmem>>
      %dma_start3A_197 = tpu.memref_squeeze %dma_start3A_196 : memref<1x72x32xf32, #tpu.memory_space<vmem>> -> memref<72x32xf32, #tpu.memory_space<vmem>>
      %dma_start3A_198 = arith.constant 128 : i32
      %dma_start3A_199 = tpu.memref_slice %arg16[%add3A_181, %dma_start3A_198] : memref<128x200xi32, #tpu.memory_space<vmem>> -> memref<1x72xi32, #tpu.memory_space<vmem>>
      %dma_start3A_200 = tpu.memref_squeeze %dma_start3A_199 : memref<1x72xi32, #tpu.memory_space<vmem>> -> memref<72xi32, #tpu.memory_space<vmem>>
      %dma_start3A_201 = arith.constant 0 : i32
      %dma_start3A_202 = arith.constant 0 : i32
      %dma_start3A_203 = tpu.memref_slice %arg9[%dma_start3A_201, %dma_start3A_202] : memref<100000x32xf32, #tpu.memory_space<hbm>> -> memref<100000x32xf32, #tpu.memory_space<hbm>>
      tpu.enqueue_indirect_dma source(%dma_start3A_203 : memref<100000x32xf32, #tpu.memory_space<hbm>>) target(%dma_start3A_197 : memref<72x32xf32, #tpu.memory_space<vmem>>) offsets(%dma_start3A_200 : memref<72xi32, #tpu.memory_space<vmem>>) semaphore(%arg22 : memref<!tpu.dma_semaphore, #tpu.memory_space<semaphore_mem>>)
      %mul3A_204 = arith.constant 2 : i32
      %mul3A_205 = arith.muli %mul3A_114, %mul3A_204 : i32
      %add3A_206 = arith.constant 1 : i32
      %add3A_207 = arith.addi %mul3A_205, %add3A_206 : i32
      %dma_start3A_208 = arith.constant 1 : i32
      %dma_start3A_209 = arith.constant 0 : i32
      %dma_start3A_210 = arith.constant 0 : i32
      %dma_start3A_211 = tpu.memref_slice %arg18[%dma_start3A_208, %dma_start3A_209, %dma_start3A_210] : memref<4x200x32xf32, #tpu.memory_space<vmem>> -> memref<1x128x32xf32, #tpu.memory_space<vmem>>
      %dma_start3A_212 = tpu.memref_squeeze %dma_start3A_211 : memref<1x128x32xf32, #tpu.memory_space<vmem>> -> memref<128x32xf32, #tpu.memory_space<vmem>>
      %dma_start3A_213 = arith.constant 0 : i32
      %dma_start3A_214 = tpu.memref_slice %arg16[%add3A_207, %dma_start3A_213] : memref<128x200xi32, #tpu.memory_space<vmem>> -> memref<1x128xi32, #tpu.memory_space<vmem>>
      %dma_start3A_215 = tpu.memref_squeeze %dma_start3A_214 : memref<1x128xi32, #tpu.memory_space<vmem>> -> memref<128xi32, #tpu.memory_space<vmem>>
      %dma_start3A_216 = arith.constant 0 : i32
      %dma_start3A_217 = arith.constant 0 : i32
      %dma_start3A_218 = tpu.memref_slice %arg9[%dma_start3A_216, %dma_start3A_217] : memref<100000x32xf32, #tpu.memory_space<hbm>> -> memref<100000x32xf32, #tpu.memory_space<hbm>>
      tpu.enqueue_indirect_dma source(%dma_start3A_218 : memref<100000x32xf32, #tpu.memory_space<hbm>>) target(%dma_start3A_212 : memref<128x32xf32, #tpu.memory_space<vmem>>) offsets(%dma_start3A_215 : memref<128xi32, #tpu.memory_space<vmem>>) semaphore(%arg22 : memref<!tpu.dma_semaphore, #tpu.memory_space<semaphore_mem>>)
      %dma_start3A_219 = arith.constant 1 : i32
      %dma_start3A_220 = arith.constant 128 : i32
      %dma_start3A_221 = arith.constant 0 : i32
      %dma_start3A_222 = tpu.memref_slice %arg18[%dma_start3A_219, %dma_start3A_220, %dma_start3A_221] : memref<4x200x32xf32, #tpu.memory_space<vmem>> -> memref<1x72x32xf32, #tpu.memory_space<vmem>>
      %dma_start3A_223 = tpu.memref_squeeze %dma_start3A_222 : memref<1x72x32xf32, #tpu.memory_space<vmem>> -> memref<72x32xf32, #tpu.memory_space<vmem>>
      %dma_start3A_224 = arith.constant 128 : i32
      %dma_start3A_225 = tpu.memref_slice %arg16[%add3A_207, %dma_start3A_224] : memref<128x200xi32, #tpu.memory_space<vmem>> -> memref<1x72xi32, #tpu.memory_space<vmem>>
      %dma_start3A_226 = tpu.memref_squeeze %dma_start3A_225 : memref<1x72xi32, #tpu.memory_space<vmem>> -> memref<72xi32, #tpu.memory_space<vmem>>
      %dma_start3A_227 = arith.constant 0 : i32
      %dma_start3A_228 = arith.constant 0 : i32
      %dma_start3A_229 = tpu.memref_slice %arg9[%dma_start3A_227, %dma_start3A_228] : memref<100000x32xf32, #tpu.memory_space<hbm>> -> memref<100000x32xf32, #tpu.memory_space<hbm>>
      tpu.enqueue_indirect_dma source(%dma_start3A_229 : memref<100000x32xf32, #tpu.memory_space<hbm>>) target(%dma_start3A_223 : memref<72x32xf32, #tpu.memory_space<vmem>>) offsets(%dma_start3A_226 : memref<72xi32, #tpu.memory_space<vmem>>) semaphore(%arg22 : memref<!tpu.dma_semaphore, #tpu.memory_space<semaphore_mem>>)
      %gt3A_230 = arith.constant 0 : i32
      %gt3A_231 = arith.cmpi sgt, %scan3A_112, %gt3A_230 : i32
      %convert_element_type3A_232 = arith.extui %gt3A_231 : i1 to i32
      %cond3A_233 = arith.constant 0 : i32
      %cond3A_234 = arith.cmpi ne, %convert_element_type3A_232, %cond3A_233 : i32
      scf.if %cond3A_234 {
        %sub3A = arith.constant 2 : i32
        %sub3A_588 = arith.subi %add3A_118, %sub3A : i32
        %mul3A_589 = arith.constant 2 : i32
        %mul3A_590 = arith.muli %sub3A_588, %mul3A_589 : i32
        %add3A_591 = arith.addi %mul3A_2, %mul3A_590 : i32
        %dma_wait3A_592 = arith.constant 2 : i32
        %dma_wait3A_593 = arith.constant 0 : i32
        %dma_wait3A_594 = arith.constant 0 : i32
        %dma_wait3A_595 = tpu.memref_slice %arg17[%dma_wait3A_592, %dma_wait3A_593, %dma_wait3A_594] : memref<4x200x32xf32, #tpu.memory_space<vmem>> -> memref<2x200x32xf32, #tpu.memory_space<vmem>>
        %dma_wait3A_596 = arith.constant 0 : i32
        %dma_wait3A_597 = arith.constant 0 : i32
        %dma_wait3A_598 = tpu.memref_slice %arg12[%add3A_591, %dma_wait3A_596, %dma_wait3A_597] : memref<4096x200x64xf32, #tpu.memory_space<hbm>> -> memref<2x200x32xf32, #tpu.memory_space<hbm>>
        %dma_wait3A_599 = arith.constant 0 : i32
        %dma_wait3A_600 = arith.constant 0 : i32
        %dma_wait3A_601 = tpu.memref_slice %arg12[%add3A_591, %dma_wait3A_599, %dma_wait3A_600] : memref<4096x200x64xf32, #tpu.memory_space<hbm>> -> memref<2x200x32xf32, #tpu.memory_space<hbm>>
        %dma_wait3A_602 = arith.constant 2 : i32
        %dma_wait3A_603 = arith.constant 0 : i32
        %dma_wait3A_604 = arith.constant 0 : i32
        %dma_wait3A_605 = tpu.memref_slice %arg17[%dma_wait3A_602, %dma_wait3A_603, %dma_wait3A_604] : memref<4x200x32xf32, #tpu.memory_space<vmem>> -> memref<2x200x32xf32, #tpu.memory_space<vmem>>
        tpu.wait_dma2 semaphore(%arg25 : memref<!tpu.dma_semaphore, #tpu.memory_space<semaphore_mem>>) src(%dma_wait3A_605 : memref<2x200x32xf32, #tpu.memory_space<vmem>>) dst(%dma_wait3A_601 : memref<2x200x32xf32, #tpu.memory_space<hbm>>)
      } else {
      }
      %mul3A_235 = arith.constant 2 : i32
      %mul3A_236 = arith.muli %add3A_118, %mul3A_235 : i32
      %add3A_237 = arith.constant 0 : i32
      %add3A_238 = arith.addi %mul3A_236, %add3A_237 : i32
      %dma_start3A_239 = arith.constant 2 : i32
      %dma_start3A_240 = arith.constant 0 : i32
      %dma_start3A_241 = arith.constant 0 : i32
      %dma_start3A_242 = tpu.memref_slice %arg17[%dma_start3A_239, %dma_start3A_240, %dma_start3A_241] : memref<4x200x32xf32, #tpu.memory_space<vmem>> -> memref<1x128x32xf32, #tpu.memory_space<vmem>>
      %dma_start3A_243 = tpu.memref_squeeze %dma_start3A_242 : memref<1x128x32xf32, #tpu.memory_space<vmem>> -> memref<128x32xf32, #tpu.memory_space<vmem>>
      %dma_start3A_244 = arith.constant 0 : i32
      %dma_start3A_245 = tpu.memref_slice %arg15[%add3A_238, %dma_start3A_244] : memref<128x200xi32, #tpu.memory_space<vmem>> -> memref<1x128xi32, #tpu.memory_space<vmem>>
      %dma_start3A_246 = tpu.memref_squeeze %dma_start3A_245 : memref<1x128xi32, #tpu.memory_space<vmem>> -> memref<128xi32, #tpu.memory_space<vmem>>
      %dma_start3A_247 = arith.constant 0 : i32
      %dma_start3A_248 = arith.constant 0 : i32
      %dma_start3A_249 = tpu.memref_slice %arg8[%dma_start3A_247, %dma_start3A_248] : memref<1000000x32xf32, #tpu.memory_space<hbm>> -> memref<1000000x32xf32, #tpu.memory_space<hbm>>
      tpu.enqueue_indirect_dma source(%dma_start3A_249 : memref<1000000x32xf32, #tpu.memory_space<hbm>>) target(%dma_start3A_243 : memref<128x32xf32, #tpu.memory_space<vmem>>) offsets(%dma_start3A_246 : memref<128xi32, #tpu.memory_space<vmem>>) semaphore(%arg21 : memref<!tpu.dma_semaphore, #tpu.memory_space<semaphore_mem>>)
      %dma_start3A_250 = arith.constant 2 : i32
      %dma_start3A_251 = arith.constant 128 : i32
      %dma_start3A_252 = arith.constant 0 : i32
      %dma_start3A_253 = tpu.memref_slice %arg17[%dma_start3A_250, %dma_start3A_251, %dma_start3A_252] : memref<4x200x32xf32, #tpu.memory_space<vmem>> -> memref<1x72x32xf32, #tpu.memory_space<vmem>>
      %dma_start3A_254 = tpu.memref_squeeze %dma_start3A_253 : memref<1x72x32xf32, #tpu.memory_space<vmem>> -> memref<72x32xf32, #tpu.memory_space<vmem>>
      %dma_start3A_255 = arith.constant 128 : i32
      %dma_start3A_256 = tpu.memref_slice %arg15[%add3A_238, %dma_start3A_255] : memref<128x200xi32, #tpu.memory_space<vmem>> -> memref<1x72xi32, #tpu.memory_space<vmem>>
      %dma_start3A_257 = tpu.memref_squeeze %dma_start3A_256 : memref<1x72xi32, #tpu.memory_space<vmem>> -> memref<72xi32, #tpu.memory_space<vmem>>
      %dma_start3A_258 = arith.constant 0 : i32
      %dma_start3A_259 = arith.constant 0 : i32
      %dma_start3A_260 = tpu.memref_slice %arg8[%dma_start3A_258, %dma_start3A_259] : memref<1000000x32xf32, #tpu.memory_space<hbm>> -> memref<1000000x32xf32, #tpu.memory_space<hbm>>
      tpu.enqueue_indirect_dma source(%dma_start3A_260 : memref<1000000x32xf32, #tpu.memory_space<hbm>>) target(%dma_start3A_254 : memref<72x32xf32, #tpu.memory_space<vmem>>) offsets(%dma_start3A_257 : memref<72xi32, #tpu.memory_space<vmem>>) semaphore(%arg21 : memref<!tpu.dma_semaphore, #tpu.memory_space<semaphore_mem>>)
      %mul3A_261 = arith.constant 2 : i32
      %mul3A_262 = arith.muli %add3A_118, %mul3A_261 : i32
      %add3A_263 = arith.constant 1 : i32
      %add3A_264 = arith.addi %mul3A_262, %add3A_263 : i32
      %dma_start3A_265 = arith.constant 3 : i32
      %dma_start3A_266 = arith.constant 0 : i32
      %dma_start3A_267 = arith.constant 0 : i32
      %dma_start3A_268 = tpu.memref_slice %arg17[%dma_start3A_265, %dma_start3A_266, %dma_start3A_267] : memref<4x200x32xf32, #tpu.memory_space<vmem>> -> memref<1x128x32xf32, #tpu.memory_space<vmem>>
      %dma_start3A_269 = tpu.memref_squeeze %dma_start3A_268 : memref<1x128x32xf32, #tpu.memory_space<vmem>> -> memref<128x32xf32, #tpu.memory_space<vmem>>
      %dma_start3A_270 = arith.constant 0 : i32
      %dma_start3A_271 = tpu.memref_slice %arg15[%add3A_264, %dma_start3A_270] : memref<128x200xi32, #tpu.memory_space<vmem>> -> memref<1x128xi32, #tpu.memory_space<vmem>>
      %dma_start3A_272 = tpu.memref_squeeze %dma_start3A_271 : memref<1x128xi32, #tpu.memory_space<vmem>> -> memref<128xi32, #tpu.memory_space<vmem>>
      %dma_start3A_273 = arith.constant 0 : i32
      %dma_start3A_274 = arith.constant 0 : i32
      %dma_start3A_275 = tpu.memref_slice %arg8[%dma_start3A_273, %dma_start3A_274] : memref<1000000x32xf32, #tpu.memory_space<hbm>> -> memref<1000000x32xf32, #tpu.memory_space<hbm>>
      tpu.enqueue_indirect_dma source(%dma_start3A_275 : memref<1000000x32xf32, #tpu.memory_space<hbm>>) target(%dma_start3A_269 : memref<128x32xf32, #tpu.memory_space<vmem>>) offsets(%dma_start3A_272 : memref<128xi32, #tpu.memory_space<vmem>>) semaphore(%arg21 : memref<!tpu.dma_semaphore, #tpu.memory_space<semaphore_mem>>)
      %dma_start3A_276 = arith.constant 3 : i32
      %dma_start3A_277 = arith.constant 128 : i32
      %dma_start3A_278 = arith.constant 0 : i32
      %dma_start3A_279 = tpu.memref_slice %arg17[%dma_start3A_276, %dma_start3A_277, %dma_start3A_278] : memref<4x200x32xf32, #tpu.memory_space<vmem>> -> memref<1x72x32xf32, #tpu.memory_space<vmem>>
      %dma_start3A_280 = tpu.memref_squeeze %dma_start3A_279 : memref<1x72x32xf32, #tpu.memory_space<vmem>> -> memref<72x32xf32, #tpu.memory_space<vmem>>
      %dma_start3A_281 = arith.constant 128 : i32
      %dma_start3A_282 = tpu.memref_slice %arg15[%add3A_264, %dma_start3A_281] : memref<128x200xi32, #tpu.memory_space<vmem>> -> memref<1x72xi32, #tpu.memory_space<vmem>>
      %dma_start3A_283 = tpu.memref_squeeze %dma_start3A_282 : memref<1x72xi32, #tpu.memory_space<vmem>> -> memref<72xi32, #tpu.memory_space<vmem>>
      %dma_start3A_284 = arith.constant 0 : i32
      %dma_start3A_285 = arith.constant 0 : i32
      %dma_start3A_286 = tpu.memref_slice %arg8[%dma_start3A_284, %dma_start3A_285] : memref<1000000x32xf32, #tpu.memory_space<hbm>> -> memref<1000000x32xf32, #tpu.memory_space<hbm>>
      tpu.enqueue_indirect_dma source(%dma_start3A_286 : memref<1000000x32xf32, #tpu.memory_space<hbm>>) target(%dma_start3A_280 : memref<72x32xf32, #tpu.memory_space<vmem>>) offsets(%dma_start3A_283 : memref<72xi32, #tpu.memory_space<vmem>>) semaphore(%arg21 : memref<!tpu.dma_semaphore, #tpu.memory_space<semaphore_mem>>)
      %gt3A_287 = arith.constant 0 : i32
      %gt3A_288 = arith.cmpi sgt, %scan3A_112, %gt3A_287 : i32
      %convert_element_type3A_289 = arith.extui %gt3A_288 : i1 to i32
      %cond3A_290 = arith.constant 0 : i32
      %cond3A_291 = arith.cmpi ne, %convert_element_type3A_289, %cond3A_290 : i32
      scf.if %cond3A_291 {
        %sub3A = arith.constant 2 : i32
        %sub3A_588 = arith.subi %add3A_118, %sub3A : i32
        %mul3A_589 = arith.constant 2 : i32
        %mul3A_590 = arith.muli %sub3A_588, %mul3A_589 : i32
        %add3A_591 = arith.addi %mul3A_2, %mul3A_590 : i32
        %dma_wait3A_592 = arith.constant 2 : i32
        %dma_wait3A_593 = arith.constant 0 : i32
        %dma_wait3A_594 = arith.constant 0 : i32
        %dma_wait3A_595 = tpu.memref_slice %arg18[%dma_wait3A_592, %dma_wait3A_593, %dma_wait3A_594] : memref<4x200x32xf32, #tpu.memory_space<vmem>> -> memref<2x200x32xf32, #tpu.memory_space<vmem>>
        %dma_wait3A_596 = arith.constant 0 : i32
        %dma_wait3A_597 = arith.constant 32 : i32
        %dma_wait3A_598 = tpu.memref_slice %arg12[%add3A_591, %dma_wait3A_596, %dma_wait3A_597] : memref<4096x200x64xf32, #tpu.memory_space<hbm>> -> memref<2x200x32xf32, #tpu.memory_space<hbm>>
        %dma_wait3A_599 = arith.constant 0 : i32
        %dma_wait3A_600 = arith.constant 32 : i32
        %dma_wait3A_601 = tpu.memref_slice %arg12[%add3A_591, %dma_wait3A_599, %dma_wait3A_600] : memref<4096x200x64xf32, #tpu.memory_space<hbm>> -> memref<2x200x32xf32, #tpu.memory_space<hbm>>
        %dma_wait3A_602 = arith.constant 2 : i32
        %dma_wait3A_603 = arith.constant 0 : i32
        %dma_wait3A_604 = arith.constant 0 : i32
        %dma_wait3A_605 = tpu.memref_slice %arg18[%dma_wait3A_602, %dma_wait3A_603, %dma_wait3A_604] : memref<4x200x32xf32, #tpu.memory_space<vmem>> -> memref<2x200x32xf32, #tpu.memory_space<vmem>>
        tpu.wait_dma2 semaphore(%arg27 : memref<!tpu.dma_semaphore, #tpu.memory_space<semaphore_mem>>) src(%dma_wait3A_605 : memref<2x200x32xf32, #tpu.memory_space<vmem>>) dst(%dma_wait3A_601 : memref<2x200x32xf32, #tpu.memory_space<hbm>>)
      } else {
      }
      %mul3A_292 = arith.constant 2 : i32
      %mul3A_293 = arith.muli %add3A_118, %mul3A_292 : i32
      %add3A_294 = arith.constant 0 : i32
      %add3A_295 = arith.addi %mul3A_293, %add3A_294 : i32
      %dma_start3A_296 = arith.constant 2 : i32
      %dma_start3A_297 = arith.constant 0 : i32
      %dma_start3A_298 = arith.constant 0 : i32
      %dma_start3A_299 = tpu.memref_slice %arg18[%dma_start3A_296, %dma_start3A_297, %dma_start3A_298] : memref<4x200x32xf32, #tpu.memory_space<vmem>> -> memref<1x128x32xf32, #tpu.memory_space<vmem>>
      %dma_start3A_300 = tpu.memref_squeeze %dma_start3A_299 : memref<1x128x32xf32, #tpu.memory_space<vmem>> -> memref<128x32xf32, #tpu.memory_space<vmem>>
      %dma_start3A_301 = arith.constant 0 : i32
      %dma_start3A_302 = tpu.memref_slice %arg16[%add3A_295, %dma_start3A_301] : memref<128x200xi32, #tpu.memory_space<vmem>> -> memref<1x128xi32, #tpu.memory_space<vmem>>
      %dma_start3A_303 = tpu.memref_squeeze %dma_start3A_302 : memref<1x128xi32, #tpu.memory_space<vmem>> -> memref<128xi32, #tpu.memory_space<vmem>>
      %dma_start3A_304 = arith.constant 0 : i32
      %dma_start3A_305 = arith.constant 0 : i32
      %dma_start3A_306 = tpu.memref_slice %arg9[%dma_start3A_304, %dma_start3A_305] : memref<100000x32xf32, #tpu.memory_space<hbm>> -> memref<100000x32xf32, #tpu.memory_space<hbm>>
      tpu.enqueue_indirect_dma source(%dma_start3A_306 : memref<100000x32xf32, #tpu.memory_space<hbm>>) target(%dma_start3A_300 : memref<128x32xf32, #tpu.memory_space<vmem>>) offsets(%dma_start3A_303 : memref<128xi32, #tpu.memory_space<vmem>>) semaphore(%arg23 : memref<!tpu.dma_semaphore, #tpu.memory_space<semaphore_mem>>)
      %dma_start3A_307 = arith.constant 2 : i32
      %dma_start3A_308 = arith.constant 128 : i32
      %dma_start3A_309 = arith.constant 0 : i32
      %dma_start3A_310 = tpu.memref_slice %arg18[%dma_start3A_307, %dma_start3A_308, %dma_start3A_309] : memref<4x200x32xf32, #tpu.memory_space<vmem>> -> memref<1x72x32xf32, #tpu.memory_space<vmem>>
      %dma_start3A_311 = tpu.memref_squeeze %dma_start3A_310 : memref<1x72x32xf32, #tpu.memory_space<vmem>> -> memref<72x32xf32, #tpu.memory_space<vmem>>
      %dma_start3A_312 = arith.constant 128 : i32
      %dma_start3A_313 = tpu.memref_slice %arg16[%add3A_295, %dma_start3A_312] : memref<128x200xi32, #tpu.memory_space<vmem>> -> memref<1x72xi32, #tpu.memory_space<vmem>>
      %dma_start3A_314 = tpu.memref_squeeze %dma_start3A_313 : memref<1x72xi32, #tpu.memory_space<vmem>> -> memref<72xi32, #tpu.memory_space<vmem>>
      %dma_start3A_315 = arith.constant 0 : i32
      %dma_start3A_316 = arith.constant 0 : i32
      %dma_start3A_317 = tpu.memref_slice %arg9[%dma_start3A_315, %dma_start3A_316] : memref<100000x32xf32, #tpu.memory_space<hbm>> -> memref<100000x32xf32, #tpu.memory_space<hbm>>
      tpu.enqueue_indirect_dma source(%dma_start3A_317 : memref<100000x32xf32, #tpu.memory_space<hbm>>) target(%dma_start3A_311 : memref<72x32xf32, #tpu.memory_space<vmem>>) offsets(%dma_start3A_314 : memref<72xi32, #tpu.memory_space<vmem>>) semaphore(%arg23 : memref<!tpu.dma_semaphore, #tpu.memory_space<semaphore_mem>>)
      %mul3A_318 = arith.constant 2 : i32
      %mul3A_319 = arith.muli %add3A_118, %mul3A_318 : i32
      %add3A_320 = arith.constant 1 : i32
      %add3A_321 = arith.addi %mul3A_319, %add3A_320 : i32
      %dma_start3A_322 = arith.constant 3 : i32
      %dma_start3A_323 = arith.constant 0 : i32
      %dma_start3A_324 = arith.constant 0 : i32
      %dma_start3A_325 = tpu.memref_slice %arg18[%dma_start3A_322, %dma_start3A_323, %dma_start3A_324] : memref<4x200x32xf32, #tpu.memory_space<vmem>> -> memref<1x128x32xf32, #tpu.memory_space<vmem>>
      %dma_start3A_326 = tpu.memref_squeeze %dma_start3A_325 : memref<1x128x32xf32, #tpu.memory_space<vmem>> -> memref<128x32xf32, #tpu.memory_space<vmem>>
      %dma_start3A_327 = arith.constant 0 : i32
      %dma_start3A_328 = tpu.memref_slice %arg16[%add3A_321, %dma_start3A_327] : memref<128x200xi32, #tpu.memory_space<vmem>> -> memref<1x128xi32, #tpu.memory_space<vmem>>
      %dma_start3A_329 = tpu.memref_squeeze %dma_start3A_328 : memref<1x128xi32, #tpu.memory_space<vmem>> -> memref<128xi32, #tpu.memory_space<vmem>>
      %dma_start3A_330 = arith.constant 0 : i32
      %dma_start3A_331 = arith.constant 0 : i32
      %dma_start3A_332 = tpu.memref_slice %arg9[%dma_start3A_330, %dma_start3A_331] : memref<100000x32xf32, #tpu.memory_space<hbm>> -> memref<100000x32xf32, #tpu.memory_space<hbm>>
      tpu.enqueue_indirect_dma source(%dma_start3A_332 : memref<100000x32xf32, #tpu.memory_space<hbm>>) target(%dma_start3A_326 : memref<128x32xf32, #tpu.memory_space<vmem>>) offsets(%dma_start3A_329 : memref<128xi32, #tpu.memory_space<vmem>>) semaphore(%arg23 : memref<!tpu.dma_semaphore, #tpu.memory_space<semaphore_mem>>)
      %dma_start3A_333 = arith.constant 3 : i32
      %dma_start3A_334 = arith.constant 128 : i32
      %dma_start3A_335 = arith.constant 0 : i32
      %dma_start3A_336 = tpu.memref_slice %arg18[%dma_start3A_333, %dma_start3A_334, %dma_start3A_335] : memref<4x200x32xf32, #tpu.memory_space<vmem>> -> memref<1x72x32xf32, #tpu.memory_space<vmem>>
      %dma_start3A_337 = tpu.memref_squeeze %dma_start3A_336 : memref<1x72x32xf32, #tpu.memory_space<vmem>> -> memref<72x32xf32, #tpu.memory_space<vmem>>
      %dma_start3A_338 = arith.constant 128 : i32
      %dma_start3A_339 = tpu.memref_slice %arg16[%add3A_321, %dma_start3A_338] : memref<128x200xi32, #tpu.memory_space<vmem>> -> memref<1x72xi32, #tpu.memory_space<vmem>>
      %dma_start3A_340 = tpu.memref_squeeze %dma_start3A_339 : memref<1x72xi32, #tpu.memory_space<vmem>> -> memref<72xi32, #tpu.memory_space<vmem>>
      %dma_start3A_341 = arith.constant 0 : i32
      %dma_start3A_342 = arith.constant 0 : i32
      %dma_start3A_343 = tpu.memref_slice %arg9[%dma_start3A_341, %dma_start3A_342] : memref<100000x32xf32, #tpu.memory_space<hbm>> -> memref<100000x32xf32, #tpu.memory_space<hbm>>
      tpu.enqueue_indirect_dma source(%dma_start3A_343 : memref<100000x32xf32, #tpu.memory_space<hbm>>) target(%dma_start3A_337 : memref<72x32xf32, #tpu.memory_space<vmem>>) offsets(%dma_start3A_340 : memref<72xi32, #tpu.memory_space<vmem>>) semaphore(%arg23 : memref<!tpu.dma_semaphore, #tpu.memory_space<semaphore_mem>>)
      %dma_wait3A_344 = arith.constant 0 : i32
      %dma_wait3A_345 = arith.constant 0 : i32
      %dma_wait3A_346 = arith.constant 0 : i32
      %dma_wait3A_347 = tpu.memref_slice %arg17[%dma_wait3A_344, %dma_wait3A_345, %dma_wait3A_346] : memref<4x200x32xf32, #tpu.memory_space<vmem>> -> memref<1x128x32xf32, #tpu.memory_space<vmem>>
      %dma_wait3A_348 = tpu.memref_squeeze %dma_wait3A_347 : memref<1x128x32xf32, #tpu.memory_space<vmem>> -> memref<128x32xf32, #tpu.memory_space<vmem>>
      %dma_wait3A_349 = arith.constant 0 : i32
      %dma_wait3A_350 = tpu.memref_slice %arg15[%add3A_124, %dma_wait3A_349] : memref<128x200xi32, #tpu.memory_space<vmem>> -> memref<1x128xi32, #tpu.memory_space<vmem>>
      %dma_wait3A_351 = tpu.memref_squeeze %dma_wait3A_350 : memref<1x128xi32, #tpu.memory_space<vmem>> -> memref<128xi32, #tpu.memory_space<vmem>>
      %dma_wait3A_352 = arith.constant 0 : i32
      %dma_wait3A_353 = arith.constant 0 : i32
      %dma_wait3A_354 = tpu.memref_slice %arg8[%dma_wait3A_352, %dma_wait3A_353] : memref<1000000x32xf32, #tpu.memory_space<hbm>> -> memref<1000000x32xf32, #tpu.memory_space<hbm>>
      tpu.wait_indirect_dma semaphore(%arg20 : memref<!tpu.dma_semaphore, #tpu.memory_space<semaphore_mem>>) src(%dma_wait3A_354 : memref<1000000x32xf32, #tpu.memory_space<hbm>>) dst(%dma_wait3A_348 : memref<128x32xf32, #tpu.memory_space<vmem>>)
      %dma_wait3A_355 = arith.constant 0 : i32
      %dma_wait3A_356 = arith.constant 128 : i32
      %dma_wait3A_357 = arith.constant 0 : i32
      %dma_wait3A_358 = tpu.memref_slice %arg17[%dma_wait3A_355, %dma_wait3A_356, %dma_wait3A_357] : memref<4x200x32xf32, #tpu.memory_space<vmem>> -> memref<1x72x32xf32, #tpu.memory_space<vmem>>
      %dma_wait3A_359 = tpu.memref_squeeze %dma_wait3A_358 : memref<1x72x32xf32, #tpu.memory_space<vmem>> -> memref<72x32xf32, #tpu.memory_space<vmem>>
      %dma_wait3A_360 = arith.constant 128 : i32
      %dma_wait3A_361 = tpu.memref_slice %arg15[%add3A_124, %dma_wait3A_360] : memref<128x200xi32, #tpu.memory_space<vmem>> -> memref<1x72xi32, #tpu.memory_space<vmem>>
      %dma_wait3A_362 = tpu.memref_squeeze %dma_wait3A_361 : memref<1x72xi32, #tpu.memory_space<vmem>> -> memref<72xi32, #tpu.memory_space<vmem>>
      %dma_wait3A_363 = arith.constant 0 : i32
      %dma_wait3A_364 = arith.constant 0 : i32
      %dma_wait3A_365 = tpu.memref_slice %arg8[%dma_wait3A_363, %dma_wait3A_364] : memref<1000000x32xf32, #tpu.memory_space<hbm>> -> memref<1000000x32xf32, #tpu.memory_space<hbm>>
      tpu.wait_indirect_dma semaphore(%arg20 : memref<!tpu.dma_semaphore, #tpu.memory_space<semaphore_mem>>) src(%dma_wait3A_365 : memref<1000000x32xf32, #tpu.memory_space<hbm>>) dst(%dma_wait3A_359 : memref<72x32xf32, #tpu.memory_space<vmem>>)
      %dma_wait3A_366 = arith.constant 1 : i32
      %dma_wait3A_367 = arith.constant 0 : i32
      %dma_wait3A_368 = arith.constant 0 : i32
      %dma_wait3A_369 = tpu.memref_slice %arg17[%dma_wait3A_366, %dma_wait3A_367, %dma_wait3A_368] : memref<4x200x32xf32, #tpu.memory_space<vmem>> -> memref<1x128x32xf32, #tpu.memory_space<vmem>>
      %dma_wait3A_370 = tpu.memref_squeeze %dma_wait3A_369 : memref<1x128x32xf32, #tpu.memory_space<vmem>> -> memref<128x32xf32, #tpu.memory_space<vmem>>
      %dma_wait3A_371 = arith.constant 0 : i32
      %dma_wait3A_372 = tpu.memref_slice %arg15[%add3A_150, %dma_wait3A_371] : memref<128x200xi32, #tpu.memory_space<vmem>> -> memref<1x128xi32, #tpu.memory_space<vmem>>
      %dma_wait3A_373 = tpu.memref_squeeze %dma_wait3A_372 : memref<1x128xi32, #tpu.memory_space<vmem>> -> memref<128xi32, #tpu.memory_space<vmem>>
      %dma_wait3A_374 = arith.constant 0 : i32
      %dma_wait3A_375 = arith.constant 0 : i32
      %dma_wait3A_376 = tpu.memref_slice %arg8[%dma_wait3A_374, %dma_wait3A_375] : memref<1000000x32xf32, #tpu.memory_space<hbm>> -> memref<1000000x32xf32, #tpu.memory_space<hbm>>
      tpu.wait_indirect_dma semaphore(%arg20 : memref<!tpu.dma_semaphore, #tpu.memory_space<semaphore_mem>>) src(%dma_wait3A_376 : memref<1000000x32xf32, #tpu.memory_space<hbm>>) dst(%dma_wait3A_370 : memref<128x32xf32, #tpu.memory_space<vmem>>)
      %dma_wait3A_377 = arith.constant 1 : i32
      %dma_wait3A_378 = arith.constant 128 : i32
      %dma_wait3A_379 = arith.constant 0 : i32
      %dma_wait3A_380 = tpu.memref_slice %arg17[%dma_wait3A_377, %dma_wait3A_378, %dma_wait3A_379] : memref<4x200x32xf32, #tpu.memory_space<vmem>> -> memref<1x72x32xf32, #tpu.memory_space<vmem>>
      %dma_wait3A_381 = tpu.memref_squeeze %dma_wait3A_380 : memref<1x72x32xf32, #tpu.memory_space<vmem>> -> memref<72x32xf32, #tpu.memory_space<vmem>>
      %dma_wait3A_382 = arith.constant 128 : i32
      %dma_wait3A_383 = tpu.memref_slice %arg15[%add3A_150, %dma_wait3A_382] : memref<128x200xi32, #tpu.memory_space<vmem>> -> memref<1x72xi32, #tpu.memory_space<vmem>>
      %dma_wait3A_384 = tpu.memref_squeeze %dma_wait3A_383 : memref<1x72xi32, #tpu.memory_space<vmem>> -> memref<72xi32, #tpu.memory_space<vmem>>
      %dma_wait3A_385 = arith.constant 0 : i32
      %dma_wait3A_386 = arith.constant 0 : i32
      %dma_wait3A_387 = tpu.memref_slice %arg8[%dma_wait3A_385, %dma_wait3A_386] : memref<1000000x32xf32, #tpu.memory_space<hbm>> -> memref<1000000x32xf32, #tpu.memory_space<hbm>>
      tpu.wait_indirect_dma semaphore(%arg20 : memref<!tpu.dma_semaphore, #tpu.memory_space<semaphore_mem>>) src(%dma_wait3A_387 : memref<1000000x32xf32, #tpu.memory_space<hbm>>) dst(%dma_wait3A_381 : memref<72x32xf32, #tpu.memory_space<vmem>>)
      %mul3A_388 = arith.constant 2 : i32
      %mul3A_389 = arith.muli %mul3A_114, %mul3A_388 : i32
      %add3A_390 = arith.addi %mul3A_2, %mul3A_389 : i32
      %dma_start3A_391 = arith.constant 0 : i32
      %dma_start3A_392 = arith.constant 0 : i32
      %dma_start3A_393 = arith.constant 0 : i32
      %dma_start3A_394 = tpu.memref_slice %arg17[%dma_start3A_391, %dma_start3A_392, %dma_start3A_393] : memref<4x200x32xf32, #tpu.memory_space<vmem>> -> memref<2x200x32xf32, #tpu.memory_space<vmem>>
      %dma_start3A_395 = arith.constant 0 : i32
      %dma_start3A_396 = arith.constant 0 : i32
      %dma_start3A_397 = tpu.memref_slice %arg12[%add3A_390, %dma_start3A_395, %dma_start3A_396] : memref<4096x200x64xf32, #tpu.memory_space<hbm>> -> memref<2x200x32xf32, #tpu.memory_space<hbm>>
      %dma_start3A_398 = arith.constant 0 : i32
      %dma_start3A_399 = arith.constant 0 : i32
      %dma_start3A_400 = tpu.memref_slice %arg12[%add3A_390, %dma_start3A_398, %dma_start3A_399] : memref<4096x200x64xf32, #tpu.memory_space<hbm>> -> memref<2x200x32xf32, #tpu.memory_space<hbm>>
      %dma_start3A_401 = arith.constant 0 : i32
      %dma_start3A_402 = arith.constant 0 : i32
      %dma_start3A_403 = arith.constant 0 : i32
      %dma_start3A_404 = tpu.memref_slice %arg17[%dma_start3A_401, %dma_start3A_402, %dma_start3A_403] : memref<4x200x32xf32, #tpu.memory_space<vmem>> -> memref<2x200x32xf32, #tpu.memory_space<vmem>>
      tpu.enqueue_dma source(%dma_start3A_404 : memref<2x200x32xf32, #tpu.memory_space<vmem>>) target(%dma_start3A_400 : memref<2x200x32xf32, #tpu.memory_space<hbm>>) target_semaphore(%arg24 : memref<!tpu.dma_semaphore, #tpu.memory_space<semaphore_mem>>)
      %dma_wait3A_405 = arith.constant 0 : i32
      %dma_wait3A_406 = arith.constant 0 : i32
      %dma_wait3A_407 = arith.constant 0 : i32
      %dma_wait3A_408 = tpu.memref_slice %arg18[%dma_wait3A_405, %dma_wait3A_406, %dma_wait3A_407] : memref<4x200x32xf32, #tpu.memory_space<vmem>> -> memref<1x128x32xf32, #tpu.memory_space<vmem>>
      %dma_wait3A_409 = tpu.memref_squeeze %dma_wait3A_408 : memref<1x128x32xf32, #tpu.memory_space<vmem>> -> memref<128x32xf32, #tpu.memory_space<vmem>>
      %dma_wait3A_410 = arith.constant 0 : i32
      %dma_wait3A_411 = tpu.memref_slice %arg16[%add3A_181, %dma_wait3A_410] : memref<128x200xi32, #tpu.memory_space<vmem>> -> memref<1x128xi32, #tpu.memory_space<vmem>>
      %dma_wait3A_412 = tpu.memref_squeeze %dma_wait3A_411 : memref<1x128xi32, #tpu.memory_space<vmem>> -> memref<128xi32, #tpu.memory_space<vmem>>
      %dma_wait3A_413 = arith.constant 0 : i32
      %dma_wait3A_414 = arith.constant 0 : i32
      %dma_wait3A_415 = tpu.memref_slice %arg9[%dma_wait3A_413, %dma_wait3A_414] : memref<100000x32xf32, #tpu.memory_space<hbm>> -> memref<100000x32xf32, #tpu.memory_space<hbm>>
      tpu.wait_indirect_dma semaphore(%arg22 : memref<!tpu.dma_semaphore, #tpu.memory_space<semaphore_mem>>) src(%dma_wait3A_415 : memref<100000x32xf32, #tpu.memory_space<hbm>>) dst(%dma_wait3A_409 : memref<128x32xf32, #tpu.memory_space<vmem>>)
      %dma_wait3A_416 = arith.constant 0 : i32
      %dma_wait3A_417 = arith.constant 128 : i32
      %dma_wait3A_418 = arith.constant 0 : i32
      %dma_wait3A_419 = tpu.memref_slice %arg18[%dma_wait3A_416, %dma_wait3A_417, %dma_wait3A_418] : memref<4x200x32xf32, #tpu.memory_space<vmem>> -> memref<1x72x32xf32, #tpu.memory_space<vmem>>
      %dma_wait3A_420 = tpu.memref_squeeze %dma_wait3A_419 : memref<1x72x32xf32, #tpu.memory_space<vmem>> -> memref<72x32xf32, #tpu.memory_space<vmem>>
      %dma_wait3A_421 = arith.constant 128 : i32
      %dma_wait3A_422 = tpu.memref_slice %arg16[%add3A_181, %dma_wait3A_421] : memref<128x200xi32, #tpu.memory_space<vmem>> -> memref<1x72xi32, #tpu.memory_space<vmem>>
      %dma_wait3A_423 = tpu.memref_squeeze %dma_wait3A_422 : memref<1x72xi32, #tpu.memory_space<vmem>> -> memref<72xi32, #tpu.memory_space<vmem>>
      %dma_wait3A_424 = arith.constant 0 : i32
      %dma_wait3A_425 = arith.constant 0 : i32
      %dma_wait3A_426 = tpu.memref_slice %arg9[%dma_wait3A_424, %dma_wait3A_425] : memref<100000x32xf32, #tpu.memory_space<hbm>> -> memref<100000x32xf32, #tpu.memory_space<hbm>>
      tpu.wait_indirect_dma semaphore(%arg22 : memref<!tpu.dma_semaphore, #tpu.memory_space<semaphore_mem>>) src(%dma_wait3A_426 : memref<100000x32xf32, #tpu.memory_space<hbm>>) dst(%dma_wait3A_420 : memref<72x32xf32, #tpu.memory_space<vmem>>)
      %dma_wait3A_427 = arith.constant 1 : i32
      %dma_wait3A_428 = arith.constant 0 : i32
      %dma_wait3A_429 = arith.constant 0 : i32
      %dma_wait3A_430 = tpu.memref_slice %arg18[%dma_wait3A_427, %dma_wait3A_428, %dma_wait3A_429] : memref<4x200x32xf32, #tpu.memory_space<vmem>> -> memref<1x128x32xf32, #tpu.memory_space<vmem>>
      %dma_wait3A_431 = tpu.memref_squeeze %dma_wait3A_430 : memref<1x128x32xf32, #tpu.memory_space<vmem>> -> memref<128x32xf32, #tpu.memory_space<vmem>>
      %dma_wait3A_432 = arith.constant 0 : i32
      %dma_wait3A_433 = tpu.memref_slice %arg16[%add3A_207, %dma_wait3A_432] : memref<128x200xi32, #tpu.memory_space<vmem>> -> memref<1x128xi32, #tpu.memory_space<vmem>>
      %dma_wait3A_434 = tpu.memref_squeeze %dma_wait3A_433 : memref<1x128xi32, #tpu.memory_space<vmem>> -> memref<128xi32, #tpu.memory_space<vmem>>
      %dma_wait3A_435 = arith.constant 0 : i32
      %dma_wait3A_436 = arith.constant 0 : i32
      %dma_wait3A_437 = tpu.memref_slice %arg9[%dma_wait3A_435, %dma_wait3A_436] : memref<100000x32xf32, #tpu.memory_space<hbm>> -> memref<100000x32xf32, #tpu.memory_space<hbm>>
      tpu.wait_indirect_dma semaphore(%arg22 : memref<!tpu.dma_semaphore, #tpu.memory_space<semaphore_mem>>) src(%dma_wait3A_437 : memref<100000x32xf32, #tpu.memory_space<hbm>>) dst(%dma_wait3A_431 : memref<128x32xf32, #tpu.memory_space<vmem>>)
      %dma_wait3A_438 = arith.constant 1 : i32
      %dma_wait3A_439 = arith.constant 128 : i32
      %dma_wait3A_440 = arith.constant 0 : i32
      %dma_wait3A_441 = tpu.memref_slice %arg18[%dma_wait3A_438, %dma_wait3A_439, %dma_wait3A_440] : memref<4x200x32xf32, #tpu.memory_space<vmem>> -> memref<1x72x32xf32, #tpu.memory_space<vmem>>
      %dma_wait3A_442 = tpu.memref_squeeze %dma_wait3A_441 : memref<1x72x32xf32, #tpu.memory_space<vmem>> -> memref<72x32xf32, #tpu.memory_space<vmem>>
      %dma_wait3A_443 = arith.constant 128 : i32
      %dma_wait3A_444 = tpu.memref_slice %arg16[%add3A_207, %dma_wait3A_443] : memref<128x200xi32, #tpu.memory_space<vmem>> -> memref<1x72xi32, #tpu.memory_space<vmem>>
      %dma_wait3A_445 = tpu.memref_squeeze %dma_wait3A_444 : memref<1x72xi32, #tpu.memory_space<vmem>> -> memref<72xi32, #tpu.memory_space<vmem>>
      %dma_wait3A_446 = arith.constant 0 : i32
      %dma_wait3A_447 = arith.constant 0 : i32
      %dma_wait3A_448 = tpu.memref_slice %arg9[%dma_wait3A_446, %dma_wait3A_447] : memref<100000x32xf32, #tpu.memory_space<hbm>> -> memref<100000x32xf32, #tpu.memory_space<hbm>>
      tpu.wait_indirect_dma semaphore(%arg22 : memref<!tpu.dma_semaphore, #tpu.memory_space<semaphore_mem>>) src(%dma_wait3A_448 : memref<100000x32xf32, #tpu.memory_space<hbm>>) dst(%dma_wait3A_442 : memref<72x32xf32, #tpu.memory_space<vmem>>)
      %mul3A_449 = arith.constant 2 : i32
      %mul3A_450 = arith.muli %mul3A_114, %mul3A_449 : i32
      %add3A_451 = arith.addi %mul3A_2, %mul3A_450 : i32
      %dma_start3A_452 = arith.constant 0 : i32
      %dma_start3A_453 = arith.constant 0 : i32
      %dma_start3A_454 = arith.constant 0 : i32
      %dma_start3A_455 = tpu.memref_slice %arg18[%dma_start3A_452, %dma_start3A_453, %dma_start3A_454] : memref<4x200x32xf32, #tpu.memory_space<vmem>> -> memref<2x200x32xf32, #tpu.memory_space<vmem>>
      %dma_start3A_456 = arith.constant 0 : i32
      %dma_start3A_457 = arith.constant 32 : i32
      %dma_start3A_458 = tpu.memref_slice %arg12[%add3A_451, %dma_start3A_456, %dma_start3A_457] : memref<4096x200x64xf32, #tpu.memory_space<hbm>> -> memref<2x200x32xf32, #tpu.memory_space<hbm>>
      %dma_start3A_459 = arith.constant 0 : i32
      %dma_start3A_460 = arith.constant 32 : i32
      %dma_start3A_461 = tpu.memref_slice %arg12[%add3A_451, %dma_start3A_459, %dma_start3A_460] : memref<4096x200x64xf32, #tpu.memory_space<hbm>> -> memref<2x200x32xf32, #tpu.memory_space<hbm>>
      %dma_start3A_462 = arith.constant 0 : i32
      %dma_start3A_463 = arith.constant 0 : i32
      %dma_start3A_464 = arith.constant 0 : i32
      %dma_start3A_465 = tpu.memref_slice %arg18[%dma_start3A_462, %dma_start3A_463, %dma_start3A_464] : memref<4x200x32xf32, #tpu.memory_space<vmem>> -> memref<2x200x32xf32, #tpu.memory_space<vmem>>
      tpu.enqueue_dma source(%dma_start3A_465 : memref<2x200x32xf32, #tpu.memory_space<vmem>>) target(%dma_start3A_461 : memref<2x200x32xf32, #tpu.memory_space<hbm>>) target_semaphore(%arg26 : memref<!tpu.dma_semaphore, #tpu.memory_space<semaphore_mem>>)
      %dma_wait3A_466 = arith.constant 2 : i32
      %dma_wait3A_467 = arith.constant 0 : i32
      %dma_wait3A_468 = arith.constant 0 : i32
      %dma_wait3A_469 = tpu.memref_slice %arg17[%dma_wait3A_466, %dma_wait3A_467, %dma_wait3A_468] : memref<4x200x32xf32, #tpu.memory_space<vmem>> -> memref<1x128x32xf32, #tpu.memory_space<vmem>>
      %dma_wait3A_470 = tpu.memref_squeeze %dma_wait3A_469 : memref<1x128x32xf32, #tpu.memory_space<vmem>> -> memref<128x32xf32, #tpu.memory_space<vmem>>
      %dma_wait3A_471 = arith.constant 0 : i32
      %dma_wait3A_472 = tpu.memref_slice %arg15[%add3A_238, %dma_wait3A_471] : memref<128x200xi32, #tpu.memory_space<vmem>> -> memref<1x128xi32, #tpu.memory_space<vmem>>
      %dma_wait3A_473 = tpu.memref_squeeze %dma_wait3A_472 : memref<1x128xi32, #tpu.memory_space<vmem>> -> memref<128xi32, #tpu.memory_space<vmem>>
      %dma_wait3A_474 = arith.constant 0 : i32
      %dma_wait3A_475 = arith.constant 0 : i32
      %dma_wait3A_476 = tpu.memref_slice %arg8[%dma_wait3A_474, %dma_wait3A_475] : memref<1000000x32xf32, #tpu.memory_space<hbm>> -> memref<1000000x32xf32, #tpu.memory_space<hbm>>
      tpu.wait_indirect_dma semaphore(%arg21 : memref<!tpu.dma_semaphore, #tpu.memory_space<semaphore_mem>>) src(%dma_wait3A_476 : memref<1000000x32xf32, #tpu.memory_space<hbm>>) dst(%dma_wait3A_470 : memref<128x32xf32, #tpu.memory_space<vmem>>)
      %dma_wait3A_477 = arith.constant 2 : i32
      %dma_wait3A_478 = arith.constant 128 : i32
      %dma_wait3A_479 = arith.constant 0 : i32
      %dma_wait3A_480 = tpu.memref_slice %arg17[%dma_wait3A_477, %dma_wait3A_478, %dma_wait3A_479] : memref<4x200x32xf32, #tpu.memory_space<vmem>> -> memref<1x72x32xf32, #tpu.memory_space<vmem>>
      %dma_wait3A_481 = tpu.memref_squeeze %dma_wait3A_480 : memref<1x72x32xf32, #tpu.memory_space<vmem>> -> memref<72x32xf32, #tpu.memory_space<vmem>>
      %dma_wait3A_482 = arith.constant 128 : i32
      %dma_wait3A_483 = tpu.memref_slice %arg15[%add3A_238, %dma_wait3A_482] : memref<128x200xi32, #tpu.memory_space<vmem>> -> memref<1x72xi32, #tpu.memory_space<vmem>>
      %dma_wait3A_484 = tpu.memref_squeeze %dma_wait3A_483 : memref<1x72xi32, #tpu.memory_space<vmem>> -> memref<72xi32, #tpu.memory_space<vmem>>
      %dma_wait3A_485 = arith.constant 0 : i32
      %dma_wait3A_486 = arith.constant 0 : i32
      %dma_wait3A_487 = tpu.memref_slice %arg8[%dma_wait3A_485, %dma_wait3A_486] : memref<1000000x32xf32, #tpu.memory_space<hbm>> -> memref<1000000x32xf32, #tpu.memory_space<hbm>>
      tpu.wait_indirect_dma semaphore(%arg21 : memref<!tpu.dma_semaphore, #tpu.memory_space<semaphore_mem>>) src(%dma_wait3A_487 : memref<1000000x32xf32, #tpu.memory_space<hbm>>) dst(%dma_wait3A_481 : memref<72x32xf32, #tpu.memory_space<vmem>>)
      %dma_wait3A_488 = arith.constant 3 : i32
      %dma_wait3A_489 = arith.constant 0 : i32
      %dma_wait3A_490 = arith.constant 0 : i32
      %dma_wait3A_491 = tpu.memref_slice %arg17[%dma_wait3A_488, %dma_wait3A_489, %dma_wait3A_490] : memref<4x200x32xf32, #tpu.memory_space<vmem>> -> memref<1x128x32xf32, #tpu.memory_space<vmem>>
      %dma_wait3A_492 = tpu.memref_squeeze %dma_wait3A_491 : memref<1x128x32xf32, #tpu.memory_space<vmem>> -> memref<128x32xf32, #tpu.memory_space<vmem>>
      %dma_wait3A_493 = arith.constant 0 : i32
      %dma_wait3A_494 = tpu.memref_slice %arg15[%add3A_264, %dma_wait3A_493] : memref<128x200xi32, #tpu.memory_space<vmem>> -> memref<1x128xi32, #tpu.memory_space<vmem>>
      %dma_wait3A_495 = tpu.memref_squeeze %dma_wait3A_494 : memref<1x128xi32, #tpu.memory_space<vmem>> -> memref<128xi32, #tpu.memory_space<vmem>>
      %dma_wait3A_496 = arith.constant 0 : i32
      %dma_wait3A_497 = arith.constant 0 : i32
      %dma_wait3A_498 = tpu.memref_slice %arg8[%dma_wait3A_496, %dma_wait3A_497] : memref<1000000x32xf32, #tpu.memory_space<hbm>> -> memref<1000000x32xf32, #tpu.memory_space<hbm>>
      tpu.wait_indirect_dma semaphore(%arg21 : memref<!tpu.dma_semaphore, #tpu.memory_space<semaphore_mem>>) src(%dma_wait3A_498 : memref<1000000x32xf32, #tpu.memory_space<hbm>>) dst(%dma_wait3A_492 : memref<128x32xf32, #tpu.memory_space<vmem>>)
      %dma_wait3A_499 = arith.constant 3 : i32
      %dma_wait3A_500 = arith.constant 128 : i32
      %dma_wait3A_501 = arith.constant 0 : i32
      %dma_wait3A_502 = tpu.memref_slice %arg17[%dma_wait3A_499, %dma_wait3A_500, %dma_wait3A_501] : memref<4x200x32xf32, #tpu.memory_space<vmem>> -> memref<1x72x32xf32, #tpu.memory_space<vmem>>
      %dma_wait3A_503 = tpu.memref_squeeze %dma_wait3A_502 : memref<1x72x32xf32, #tpu.memory_space<vmem>> -> memref<72x32xf32, #tpu.memory_space<vmem>>
      %dma_wait3A_504 = arith.constant 128 : i32
      %dma_wait3A_505 = tpu.memref_slice %arg15[%add3A_264, %dma_wait3A_504] : memref<128x200xi32, #tpu.memory_space<vmem>> -> memref<1x72xi32, #tpu.memory_space<vmem>>
      %dma_wait3A_506 = tpu.memref_squeeze %dma_wait3A_505 : memref<1x72xi32, #tpu.memory_space<vmem>> -> memref<72xi32, #tpu.memory_space<vmem>>
      %dma_wait3A_507 = arith.constant 0 : i32
      %dma_wait3A_508 = arith.constant 0 : i32
      %dma_wait3A_509 = tpu.memref_slice %arg8[%dma_wait3A_507, %dma_wait3A_508] : memref<1000000x32xf32, #tpu.memory_space<hbm>> -> memref<1000000x32xf32, #tpu.memory_space<hbm>>
      tpu.wait_indirect_dma semaphore(%arg21 : memref<!tpu.dma_semaphore, #tpu.memory_space<semaphore_mem>>) src(%dma_wait3A_509 : memref<1000000x32xf32, #tpu.memory_space<hbm>>) dst(%dma_wait3A_503 : memref<72x32xf32, #tpu.memory_space<vmem>>)
      %mul3A_510 = arith.constant 2 : i32
      %mul3A_511 = arith.muli %add3A_118, %mul3A_510 : i32
      %add3A_512 = arith.addi %mul3A_2, %mul3A_511 : i32
      %dma_start3A_513 = arith.constant 2 : i32
      %dma_start3A_514 = arith.constant 0 : i32
      %dma_start3A_515 = arith.constant 0 : i32
      %dma_start3A_516 = tpu.memref_slice %arg17[%dma_start3A_513, %dma_start3A_514, %dma_start3A_515] : memref<4x200x32xf32, #tpu.memory_space<vmem>> -> memref<2x200x32xf32, #tpu.memory_space<vmem>>
      %dma_start3A_517 = arith.constant 0 : i32
      %dma_start3A_518 = arith.constant 0 : i32
      %dma_start3A_519 = tpu.memref_slice %arg12[%add3A_512, %dma_start3A_517, %dma_start3A_518] : memref<4096x200x64xf32, #tpu.memory_space<hbm>> -> memref<2x200x32xf32, #tpu.memory_space<hbm>>
      %dma_start3A_520 = arith.constant 0 : i32
      %dma_start3A_521 = arith.constant 0 : i32
      %dma_start3A_522 = tpu.memref_slice %arg12[%add3A_512, %dma_start3A_520, %dma_start3A_521] : memref<4096x200x64xf32, #tpu.memory_space<hbm>> -> memref<2x200x32xf32, #tpu.memory_space<hbm>>
      %dma_start3A_523 = arith.constant 2 : i32
      %dma_start3A_524 = arith.constant 0 : i32
      %dma_start3A_525 = arith.constant 0 : i32
      %dma_start3A_526 = tpu.memref_slice %arg17[%dma_start3A_523, %dma_start3A_524, %dma_start3A_525] : memref<4x200x32xf32, #tpu.memory_space<vmem>> -> memref<2x200x32xf32, #tpu.memory_space<vmem>>
      tpu.enqueue_dma source(%dma_start3A_526 : memref<2x200x32xf32, #tpu.memory_space<vmem>>) target(%dma_start3A_522 : memref<2x200x32xf32, #tpu.memory_space<hbm>>) target_semaphore(%arg25 : memref<!tpu.dma_semaphore, #tpu.memory_space<semaphore_mem>>)
      %dma_wait3A_527 = arith.constant 2 : i32
      %dma_wait3A_528 = arith.constant 0 : i32
      %dma_wait3A_529 = arith.constant 0 : i32
      %dma_wait3A_530 = tpu.memref_slice %arg18[%dma_wait3A_527, %dma_wait3A_528, %dma_wait3A_529] : memref<4x200x32xf32, #tpu.memory_space<vmem>> -> memref<1x128x32xf32, #tpu.memory_space<vmem>>
      %dma_wait3A_531 = tpu.memref_squeeze %dma_wait3A_530 : memref<1x128x32xf32, #tpu.memory_space<vmem>> -> memref<128x32xf32, #tpu.memory_space<vmem>>
      %dma_wait3A_532 = arith.constant 0 : i32
      %dma_wait3A_533 = tpu.memref_slice %arg16[%add3A_295, %dma_wait3A_532] : memref<128x200xi32, #tpu.memory_space<vmem>> -> memref<1x128xi32, #tpu.memory_space<vmem>>
      %dma_wait3A_534 = tpu.memref_squeeze %dma_wait3A_533 : memref<1x128xi32, #tpu.memory_space<vmem>> -> memref<128xi32, #tpu.memory_space<vmem>>
      %dma_wait3A_535 = arith.constant 0 : i32
      %dma_wait3A_536 = arith.constant 0 : i32
      %dma_wait3A_537 = tpu.memref_slice %arg9[%dma_wait3A_535, %dma_wait3A_536] : memref<100000x32xf32, #tpu.memory_space<hbm>> -> memref<100000x32xf32, #tpu.memory_space<hbm>>
      tpu.wait_indirect_dma semaphore(%arg23 : memref<!tpu.dma_semaphore, #tpu.memory_space<semaphore_mem>>) src(%dma_wait3A_537 : memref<100000x32xf32, #tpu.memory_space<hbm>>) dst(%dma_wait3A_531 : memref<128x32xf32, #tpu.memory_space<vmem>>)
      %dma_wait3A_538 = arith.constant 2 : i32
      %dma_wait3A_539 = arith.constant 128 : i32
      %dma_wait3A_540 = arith.constant 0 : i32
      %dma_wait3A_541 = tpu.memref_slice %arg18[%dma_wait3A_538, %dma_wait3A_539, %dma_wait3A_540] : memref<4x200x32xf32, #tpu.memory_space<vmem>> -> memref<1x72x32xf32, #tpu.memory_space<vmem>>
      %dma_wait3A_542 = tpu.memref_squeeze %dma_wait3A_541 : memref<1x72x32xf32, #tpu.memory_space<vmem>> -> memref<72x32xf32, #tpu.memory_space<vmem>>
      %dma_wait3A_543 = arith.constant 128 : i32
      %dma_wait3A_544 = tpu.memref_slice %arg16[%add3A_295, %dma_wait3A_543] : memref<128x200xi32, #tpu.memory_space<vmem>> -> memref<1x72xi32, #tpu.memory_space<vmem>>
      %dma_wait3A_545 = tpu.memref_squeeze %dma_wait3A_544 : memref<1x72xi32, #tpu.memory_space<vmem>> -> memref<72xi32, #tpu.memory_space<vmem>>
      %dma_wait3A_546 = arith.constant 0 : i32
      %dma_wait3A_547 = arith.constant 0 : i32
      %dma_wait3A_548 = tpu.memref_slice %arg9[%dma_wait3A_546, %dma_wait3A_547] : memref<100000x32xf32, #tpu.memory_space<hbm>> -> memref<100000x32xf32, #tpu.memory_space<hbm>>
      tpu.wait_indirect_dma semaphore(%arg23 : memref<!tpu.dma_semaphore, #tpu.memory_space<semaphore_mem>>) src(%dma_wait3A_548 : memref<100000x32xf32, #tpu.memory_space<hbm>>) dst(%dma_wait3A_542 : memref<72x32xf32, #tpu.memory_space<vmem>>)
      %dma_wait3A_549 = arith.constant 3 : i32
      %dma_wait3A_550 = arith.constant 0 : i32
      %dma_wait3A_551 = arith.constant 0 : i32
      %dma_wait3A_552 = tpu.memref_slice %arg18[%dma_wait3A_549, %dma_wait3A_550, %dma_wait3A_551] : memref<4x200x32xf32, #tpu.memory_space<vmem>> -> memref<1x128x32xf32, #tpu.memory_space<vmem>>
      %dma_wait3A_553 = tpu.memref_squeeze %dma_wait3A_552 : memref<1x128x32xf32, #tpu.memory_space<vmem>> -> memref<128x32xf32, #tpu.memory_space<vmem>>
      %dma_wait3A_554 = arith.constant 0 : i32
      %dma_wait3A_555 = tpu.memref_slice %arg16[%add3A_321, %dma_wait3A_554] : memref<128x200xi32, #tpu.memory_space<vmem>> -> memref<1x128xi32, #tpu.memory_space<vmem>>
      %dma_wait3A_556 = tpu.memref_squeeze %dma_wait3A_555 : memref<1x128xi32, #tpu.memory_space<vmem>> -> memref<128xi32, #tpu.memory_space<vmem>>
      %dma_wait3A_557 = arith.constant 0 : i32
      %dma_wait3A_558 = arith.constant 0 : i32
      %dma_wait3A_559 = tpu.memref_slice %arg9[%dma_wait3A_557, %dma_wait3A_558] : memref<100000x32xf32, #tpu.memory_space<hbm>> -> memref<100000x32xf32, #tpu.memory_space<hbm>>
      tpu.wait_indirect_dma semaphore(%arg23 : memref<!tpu.dma_semaphore, #tpu.memory_space<semaphore_mem>>) src(%dma_wait3A_559 : memref<100000x32xf32, #tpu.memory_space<hbm>>) dst(%dma_wait3A_553 : memref<128x32xf32, #tpu.memory_space<vmem>>)
      %dma_wait3A_560 = arith.constant 3 : i32
      %dma_wait3A_561 = arith.constant 128 : i32
      %dma_wait3A_562 = arith.constant 0 : i32
      %dma_wait3A_563 = tpu.memref_slice %arg18[%dma_wait3A_560, %dma_wait3A_561, %dma_wait3A_562] : memref<4x200x32xf32, #tpu.memory_space<vmem>> -> memref<1x72x32xf32, #tpu.memory_space<vmem>>
      %dma_wait3A_564 = tpu.memref_squeeze %dma_wait3A_563 : memref<1x72x32xf32, #tpu.memory_space<vmem>> -> memref<72x32xf32, #tpu.memory_space<vmem>>
      %dma_wait3A_565 = arith.constant 128 : i32
      %dma_wait3A_566 = tpu.memref_slice %arg16[%add3A_321, %dma_wait3A_565] : memref<128x200xi32, #tpu.memory_space<vmem>> -> memref<1x72xi32, #tpu.memory_space<vmem>>
      %dma_wait3A_567 = tpu.memref_squeeze %dma_wait3A_566 : memref<1x72xi32, #tpu.memory_space<vmem>> -> memref<72xi32, #tpu.memory_space<vmem>>
      %dma_wait3A_568 = arith.constant 0 : i32
      %dma_wait3A_569 = arith.constant 0 : i32
      %dma_wait3A_570 = tpu.memref_slice %arg9[%dma_wait3A_568, %dma_wait3A_569] : memref<100000x32xf32, #tpu.memory_space<hbm>> -> memref<100000x32xf32, #tpu.memory_space<hbm>>
      tpu.wait_indirect_dma semaphore(%arg23 : memref<!tpu.dma_semaphore, #tpu.memory_space<semaphore_mem>>) src(%dma_wait3A_570 : memref<100000x32xf32, #tpu.memory_space<hbm>>) dst(%dma_wait3A_564 : memref<72x32xf32, #tpu.memory_space<vmem>>)
      %mul3A_571 = arith.constant 2 : i32
      %mul3A_572 = arith.muli %add3A_118, %mul3A_571 : i32
      %add3A_573 = arith.addi %mul3A_2, %mul3A_572 : i32
      %dma_start3A_574 = arith.constant 2 : i32
      %dma_start3A_575 = arith.constant 0 : i32
      %dma_start3A_576 = arith.constant 0 : i32
      %dma_start3A_577 = tpu.memref_slice %arg18[%dma_start3A_574, %dma_start3A_575, %dma_start3A_576] : memref<4x200x32xf32, #tpu.memory_space<vmem>> -> memref<2x200x32xf32, #tpu.memory_space<vmem>>
      %dma_start3A_578 = arith.constant 0 : i32
      %dma_start3A_579 = arith.constant 32 : i32
      %dma_start3A_580 = tpu.memref_slice %arg12[%add3A_573, %dma_start3A_578, %dma_start3A_579] : memref<4096x200x64xf32, #tpu.memory_space<hbm>> -> memref<2x200x32xf32, #tpu.memory_space<hbm>>
      %dma_start3A_581 = arith.constant 0 : i32
      %dma_start3A_582 = arith.constant 32 : i32
      %dma_start3A_583 = tpu.memref_slice %arg12[%add3A_573, %dma_start3A_581, %dma_start3A_582] : memref<4096x200x64xf32, #tpu.memory_space<hbm>> -> memref<2x200x32xf32, #tpu.memory_space<hbm>>
      %dma_start3A_584 = arith.constant 2 : i32
      %dma_start3A_585 = arith.constant 0 : i32
      %dma_start3A_586 = arith.constant 0 : i32
      %dma_start3A_587 = tpu.memref_slice %arg18[%dma_start3A_584, %dma_start3A_585, %dma_start3A_586] : memref<4x200x32xf32, #tpu.memory_space<vmem>> -> memref<2x200x32xf32, #tpu.memory_space<vmem>>
      tpu.enqueue_dma source(%dma_start3A_587 : memref<2x200x32xf32, #tpu.memory_space<vmem>>) target(%dma_start3A_583 : memref<2x200x32xf32, #tpu.memory_space<hbm>>) target_semaphore(%arg27 : memref<!tpu.dma_semaphore, #tpu.memory_space<semaphore_mem>>)
    }
    %scan3A_47 = arith.constant 32 : i32
    %add3A_48 = arith.constant 124 : i32
    %add3A_49 = arith.addi %mul3A_2, %add3A_48 : i32
    %dma_wait3A_50 = arith.constant 0 : i32
    %dma_wait3A_51 = arith.constant 0 : i32
    %dma_wait3A_52 = arith.constant 0 : i32
    %dma_wait3A_53 = tpu.memref_slice %arg17[%dma_wait3A_50, %dma_wait3A_51, %dma_wait3A_52] : memref<4x200x32xf32, #tpu.memory_space<vmem>> -> memref<2x200x32xf32, #tpu.memory_space<vmem>>
    %dma_wait3A_54 = arith.constant 0 : i32
    %dma_wait3A_55 = arith.constant 0 : i32
    %dma_wait3A_56 = tpu.memref_slice %arg12[%add3A_49, %dma_wait3A_54, %dma_wait3A_55] : memref<4096x200x64xf32, #tpu.memory_space<hbm>> -> memref<2x200x32xf32, #tpu.memory_space<hbm>>
    %dma_wait3A_57 = arith.constant 0 : i32
    %dma_wait3A_58 = arith.constant 0 : i32
    %dma_wait3A_59 = tpu.memref_slice %arg12[%add3A_49, %dma_wait3A_57, %dma_wait3A_58] : memref<4096x200x64xf32, #tpu.memory_space<hbm>> -> memref<2x200x32xf32, #tpu.memory_space<hbm>>
    %dma_wait3A_60 = arith.constant 0 : i32
    %dma_wait3A_61 = arith.constant 0 : i32
    %dma_wait3A_62 = arith.constant 0 : i32
    %dma_wait3A_63 = tpu.memref_slice %arg17[%dma_wait3A_60, %dma_wait3A_61, %dma_wait3A_62] : memref<4x200x32xf32, #tpu.memory_space<vmem>> -> memref<2x200x32xf32, #tpu.memory_space<vmem>>
    tpu.wait_dma2 semaphore(%arg24 : memref<!tpu.dma_semaphore, #tpu.memory_space<semaphore_mem>>) src(%dma_wait3A_63 : memref<2x200x32xf32, #tpu.memory_space<vmem>>) dst(%dma_wait3A_59 : memref<2x200x32xf32, #tpu.memory_space<hbm>>)
    %add3A_64 = arith.constant 124 : i32
    %add3A_65 = arith.addi %mul3A_2, %add3A_64 : i32
    %dma_wait3A_66 = arith.constant 0 : i32
    %dma_wait3A_67 = arith.constant 0 : i32
    %dma_wait3A_68 = arith.constant 0 : i32
    %dma_wait3A_69 = tpu.memref_slice %arg18[%dma_wait3A_66, %dma_wait3A_67, %dma_wait3A_68] : memref<4x200x32xf32, #tpu.memory_space<vmem>> -> memref<2x200x32xf32, #tpu.memory_space<vmem>>
    %dma_wait3A_70 = arith.constant 0 : i32
    %dma_wait3A_71 = arith.constant 32 : i32
    %dma_wait3A_72 = tpu.memref_slice %arg12[%add3A_65, %dma_wait3A_70, %dma_wait3A_71] : memref<4096x200x64xf32, #tpu.memory_space<hbm>> -> memref<2x200x32xf32, #tpu.memory_space<hbm>>
    %dma_wait3A_73 = arith.constant 0 : i32
    %dma_wait3A_74 = arith.constant 32 : i32
    %dma_wait3A_75 = tpu.memref_slice %arg12[%add3A_65, %dma_wait3A_73, %dma_wait3A_74] : memref<4096x200x64xf32, #tpu.memory_space<hbm>> -> memref<2x200x32xf32, #tpu.memory_space<hbm>>
    %dma_wait3A_76 = arith.constant 0 : i32
    %dma_wait3A_77 = arith.constant 0 : i32
    %dma_wait3A_78 = arith.constant 0 : i32
    %dma_wait3A_79 = tpu.memref_slice %arg18[%dma_wait3A_76, %dma_wait3A_77, %dma_wait3A_78] : memref<4x200x32xf32, #tpu.memory_space<vmem>> -> memref<2x200x32xf32, #tpu.memory_space<vmem>>
    tpu.wait_dma2 semaphore(%arg26 : memref<!tpu.dma_semaphore, #tpu.memory_space<semaphore_mem>>) src(%dma_wait3A_79 : memref<2x200x32xf32, #tpu.memory_space<vmem>>) dst(%dma_wait3A_75 : memref<2x200x32xf32, #tpu.memory_space<hbm>>)
    %add3A_80 = arith.constant 126 : i32
    %add3A_81 = arith.addi %mul3A_2, %add3A_80 : i32
    %dma_wait3A_82 = arith.constant 2 : i32
    %dma_wait3A_83 = arith.constant 0 : i32
    %dma_wait3A_84 = arith.constant 0 : i32
    %dma_wait3A_85 = tpu.memref_slice %arg17[%dma_wait3A_82, %dma_wait3A_83, %dma_wait3A_84] : memref<4x200x32xf32, #tpu.memory_space<vmem>> -> memref<2x200x32xf32, #tpu.memory_space<vmem>>
    %dma_wait3A_86 = arith.constant 0 : i32
    %dma_wait3A_87 = arith.constant 0 : i32
    %dma_wait3A_88 = tpu.memref_slice %arg12[%add3A_81, %dma_wait3A_86, %dma_wait3A_87] : memref<4096x200x64xf32, #tpu.memory_space<hbm>> -> memref<2x200x32xf32, #tpu.memory_space<hbm>>
    %dma_wait3A_89 = arith.constant 0 : i32
    %dma_wait3A_90 = arith.constant 0 : i32
    %dma_wait3A_91 = tpu.memref_slice %arg12[%add3A_81, %dma_wait3A_89, %dma_wait3A_90] : memref<4096x200x64xf32, #tpu.memory_space<hbm>> -> memref<2x200x32xf32, #tpu.memory_space<hbm>>
    %dma_wait3A_92 = arith.constant 2 : i32
    %dma_wait3A_93 = arith.constant 0 : i32
    %dma_wait3A_94 = arith.constant 0 : i32
    %dma_wait3A_95 = tpu.memref_slice %arg17[%dma_wait3A_92, %dma_wait3A_93, %dma_wait3A_94] : memref<4x200x32xf32, #tpu.memory_space<vmem>> -> memref<2x200x32xf32, #tpu.memory_space<vmem>>
    tpu.wait_dma2 semaphore(%arg25 : memref<!tpu.dma_semaphore, #tpu.memory_space<semaphore_mem>>) src(%dma_wait3A_95 : memref<2x200x32xf32, #tpu.memory_space<vmem>>) dst(%dma_wait3A_91 : memref<2x200x32xf32, #tpu.memory_space<hbm>>)
    %add3A_96 = arith.constant 126 : i32
    %add3A_97 = arith.addi %mul3A_2, %add3A_96 : i32
    %dma_wait3A_98 = arith.constant 2 : i32
    %dma_wait3A_99 = arith.constant 0 : i32
    %dma_wait3A_100 = arith.constant 0 : i32
    %dma_wait3A_101 = tpu.memref_slice %arg18[%dma_wait3A_98, %dma_wait3A_99, %dma_wait3A_100] : memref<4x200x32xf32, #tpu.memory_space<vmem>> -> memref<2x200x32xf32, #tpu.memory_space<vmem>>
    %dma_wait3A_102 = arith.constant 0 : i32
    %dma_wait3A_103 = arith.constant 32 : i32
    %dma_wait3A_104 = tpu.memref_slice %arg12[%add3A_97, %dma_wait3A_102, %dma_wait3A_103] : memref<4096x200x64xf32, #tpu.memory_space<hbm>> -> memref<2x200x32xf32, #tpu.memory_space<hbm>>
    %dma_wait3A_105 = arith.constant 0 : i32
    %dma_wait3A_106 = arith.constant 32 : i32
    %dma_wait3A_107 = tpu.memref_slice %arg12[%add3A_97, %dma_wait3A_105, %dma_wait3A_106] : memref<4096x200x64xf32, #tpu.memory_space<hbm>> -> memref<2x200x32xf32, #tpu.memory_space<hbm>>
    %dma_wait3A_108 = arith.constant 2 : i32
    %dma_wait3A_109 = arith.constant 0 : i32
    %dma_wait3A_110 = arith.constant 0 : i32
    %dma_wait3A_111 = tpu.memref_slice %arg18[%dma_wait3A_108, %dma_wait3A_109, %dma_wait3A_110] : memref<4x200x32xf32, #tpu.memory_space<vmem>> -> memref<2x200x32xf32, #tpu.memory_space<vmem>>
    tpu.wait_dma2 semaphore(%arg27 : memref<!tpu.dma_semaphore, #tpu.memory_space<semaphore_mem>>) src(%dma_wait3A_111 : memref<2x200x32xf32, #tpu.memory_space<vmem>>) dst(%dma_wait3A_107 : memref<2x200x32xf32, #tpu.memory_space<hbm>>)
    return
  }
}

</mosaic_0001>

<sc_bundles>
// kernel: _run.3.cloned.1.call-start
scs
__scs_entry_jumppad:
0x0: {  	(pc) =	sbr.rel $0x88, $3  }
0x1: {  	(tag) =	ssettag $0x0;
	lr =	simm.s32 $0x1  }
0x2: {  	[smem:$0x3F99] =	sst lr;
	_ =	strace $0xD0000000  }
0x3: {  	_ = 	snop  }
0x4: {  	_ = 	snop  }
0x5: {  	_ = 	snop  }
0x6: {  	_ = 	snop  }
0x7: {  	_ = 	snop  }
__scs_overlays_trampoline_lowered:
0x8: {  	[smem:$0x3FA8] =	sst s0  }
0x9: {  	[smem:$0x3FA9] =	sst s1  }
0xa: {  	[smem:$0x3FAA] =	sst s2  }
0xb: {  	[smem:$0x3FAB] =	sst s3  }
0xc: {  	[smem:$0x3FAC] =	sst s4  }
0xd: {  	[smem:$0x3FAD] =	sst s5  }
0xe: {  	[smem:$0x3FAE] =	sst s6  }
0xf: {  	[smem:$0x3FAF] =	sst s7  }
0x10: {  	[smem:$0x3FB0] =	sst s8  }
0x11: {  	[smem:$0x3FB1] =	sst s9;
	s0 =	simm.s32 @!p0 $0x0  }
0x12: {  	s1 =	sld [smem:$0x3F97];
	s0 =	simm.s32 @p0 $0x1  }
0x13: {  	[smem:$0x3FB2] =	sst s0;
	s0 =	simm.s32 @!p1 $0x0  }
0x14: {  	s2 =	sld [smem:$0x3F96];
	s0 =	simm.s32 @p1 $0x1  }
0x15: {  	[smem:$0x3FB3] =	sst s0;
	s0 =	simm.s32 @!p2 $0x0  }
0x16: {  	s3 =	sld [smem:$0x3FDB];
	s0 =	simm.s32 @p2 $0x1  }
0x17: {  	s4 =	simm.s32 $0x1BF5;
	[smem:$0x3FB5] =	sst s0  }
0x18: {  	s0 =	sld [smem:$0x3F98];
	_ =	swait.ge [sflag:s4], $0x0  }
0x19: {  	s7 =	sld [smem:$0x3F99]  }
0x1a: {  	s8 =	sadd.s32 $0xFFFFE003, lr  }
0x1b: {  	s9 =	sadd.s32 $0xFFFFFEF7, lr;
	s5 =	simm.s32 $0xFFFFFFFF;
	p2 =	slt.u32 s8, $0xFFFFF086  }
0x1c: {  	p1 =	slt.u32 s9, $0xF7A;
	s5 =	simm.s32 @!p2 $0x0  }
0x1d: {  	s5 =	simm.s32 @p1 $0x1;
	p0 =	seq.s32 s7, s2  }
0x1e: {  	s7 =	smul.u32 @!p0 $0xF7A, s2;
	p2 =	seq.s32 @!p0 s5, $0x0  }
0x1f: {  	s9 =	smul.u32 $0xF7A, s1;
	s8 =	simm.s32 @!p0 $0x1BF5;
	p2 =	por !p2, p0  }
0x20: {  	[sflag:s8] =	ssyncset.s32 @!p0 $0xFFFFF086;
	s6 =	sadd.s32 @!p0 s3, s7;
	s7 =	simm.s32 @!p0 $0x108  }
0x21: {  	s3 =	sadd.s32 s3, s9;
	s6 =	sadd.s32 @!p0 $0x88, s6;
	s7 =	simm.s32 @p2 $0x1082  }
0x22: {  	[simem:s7], [sflag:s8] =	dma.local @!p0 [hbm:s6], $0xF7A  }
0x23: {  	s9 =	sor.u32 $0xD0000000, s2;
	s6 =	simm.s32 $0x108;
	_ =	swait.ge @!p0 [sflag:s8], $0x0  }
0x24: {  	s3 =	sadd.s32 $0x88, s3;
	s6 =	simm.s32 @!p1 $0x1082;
	[sflag:s4] =	ssyncset.s32 $0xFFFFF086  }
0x25: {  	[simem:s6], [sflag:s4] =	dma.local [hbm:s3], $0xF7A  }
0x26: {  	[smem:$0x3F99] =	sst s1;
	(tag) =	ssettag s2;
	_ =	strace s9  }
0x27: {  	s1 =	sld [smem:$0x3FA9]  }
0x28: {  	s2 =	sld [smem:$0x3FAA]  }
0x29: {  	s4 =	sld [smem:$0x3FAC]  }
0x2a: {  	p0 =	seq.s32 s5, $0x0;
	s5 =	sld [smem:$0x3FAD]  }
0x2b: {  	s6 =	sld [smem:$0x3FAE]  }
0x2c: {  	s7 =	sld [smem:$0x3FAF]  }
0x2d: {  	s3 =	simm.s32 $0x108;
	s8 =	sld [smem:$0x3FB0]  }
0x2e: {  	s3 =	simm.s32 @!p0 $0x1082;
	s9 =	sld [smem:$0x3FB1]  }
0x2f: {  	lr =	sadd.s32 s0, s3;
	s0 =	sld [smem:$0x3FA8]  }
0x30: {  	s3 =	sld [smem:$0x3FAB]  }
0x31: {  	[smem:$0x3FB4] =	sst s10  }
0x32: {  	s10 =	sld [smem:$0x3FB2];
	_ =	sdelay $0x3  }
0x33: {  	p0 =	seq.s32 s10, $0x1;
	s10 =	sld [smem:$0x3FB4];
	_ =	sdelay $0x3  }
0x34: {  	[smem:$0x3FB4] =	sst s10  }
0x35: {  	s10 =	sld [smem:$0x3FB3];
	_ =	sdelay $0x3  }
0x36: {  	p1 =	seq.s32 s10, $0x1;
	s10 =	sld [smem:$0x3FB4];
	_ =	sdelay $0x3  }
0x37: {  	[smem:$0x3FB4] =	sst s10  }
0x38: {  	s10 =	sld [smem:$0x3FB5]  }
0x39: {  	_ = 	snop;
	(pc) =	sbr.ind lr, $3  }
0x3a: {  	_ = 	snop  }
0x3b: {  	_ = 	snop  }
0x3c: {  	p2 =	seq.s32 s10, $0x1;
	s10 =	sld [smem:$0x3FB4]  }
0x3d: {  	_ =	shalt  }
0x3e: {  	_ =	shalt  }
0x3f: {  	_ =	shalt  }
0x40: {  	_ =	shalt  }
0x41: {  	_ =	shalt  }
0x42: {  	_ =	shalt  }
0x43: {  	_ =	shalt  }
0x44: {  	_ =	shalt  }
0x45: {  	_ =	shalt  }
0x46: {  	_ =	shalt  }
0x47: {  	_ =	shalt  }
0x48: {  	_ =	shalt  }
0x49: {  	_ =	shalt  }
0x4a: {  	_ =	shalt  }
0x4b: {  	_ =	shalt  }
0x4c: {  	_ =	shalt  }
0x4d: {  	_ =	shalt  }
0x4e: {  	_ =	shalt  }
0x4f: {  	_ =	shalt  }
0x50: {  	_ =	shalt  }
0x51: {  	_ =	shalt  }
0x52: {  	_ =	shalt  }
0x53: {  	_ =	shalt  }
0x54: {  	_ =	shalt  }
0x55: {  	_ =	shalt  }
0x56: {  	_ =	shalt  }
0x57: {  	_ =	shalt  }
0x58: {  	_ =	shalt  }
0x59: {  	_ =	shalt  }
0x5a: {  	_ =	shalt  }
0x5b: {  	_ =	shalt  }
0x5c: {  	_ =	shalt  }
0x5d: {  	_ =	shalt  }
0x5e: {  	_ =	shalt  }
0x5f: {  	_ =	shalt  }
0x60: {  	_ =	shalt  }
0x61: {  	_ =	shalt  }
0x62: {  	_ =	shalt  }
0x63: {  	_ =	shalt  }
0x64: {  	_ =	shalt  }
0x65: {  	_ =	shalt  }
0x66: {  	_ =	shalt  }
0x67: {  	_ =	shalt  }
0x68: {  	_ =	shalt  }
0x69: {  	_ =	shalt  }
0x6a: {  	_ =	shalt  }
0x6b: {  	_ =	shalt  }
0x6c: {  	_ =	shalt  }
0x6d: {  	_ =	shalt  }
0x6e: {  	_ =	shalt  }
0x6f: {  	_ =	shalt  }
0x70: {  	_ =	shalt  }
0x71: {  	_ =	shalt  }
0x72: {  	_ =	shalt  }
0x73: {  	_ =	shalt  }
0x74: {  	_ =	shalt  }
0x75: {  	_ =	shalt  }
0x76: {  	_ =	shalt  }
0x77: {  	_ =	shalt  }
0x78: {  	_ =	shalt  }
0x79: {  	_ =	shalt  }
0x7a: {  	_ =	shalt  }
0x7b: {  	_ =	shalt  }
0x7c: {  	_ =	shalt  }
0x7d: {  	_ =	shalt  }
0x7e: {  	_ =	shalt  }
0x7f: {  	_ =	shalt  }
0x80: {  	_ =	shalt  }
0x81: {  	_ =	shalt  }
0x82: {  	_ =	shalt  }
0x83: {  	_ =	shalt  }
0x84: {  	_ =	shalt  }
0x85: {  	_ =	shalt  }
0x86: {  	_ =	shalt  }
0x87: {  	_ =	shalt  }
.Lfunc_end0:
.L_simem_size_0:
called_computation.1_lowered:
.L_overlay_start_0:
0x88: {  	s2 =	sld [smem:$0x3FD9]  }
0x89: {  	s3 =	sld [smem:$0x3FFE];
	_ =	sdelay $0x1  }
0x8a: {  	s1 =	srdreg.scid  }
0x8b: {  	s0 =	sand.u32 $0x1, s1  }
0x8c: {  	s14 =	sshll.u32 s0, $0xA;
	s2 =	sadd.s32 s3, s2  }
0x8d: {  	s2 =	sadd.s32 s2, s14  }
0x8e: {  	[smem:$0x3FC0] =	sst s2  }
0x8f: {  	_ = 	snop  }
0x90: {  	s2 =	sld [smem:$0x3FD0]  }
0x91: {  	s15 =	sld [smem:$0x3FC9]  }
0x92: {  	s4 =	sld [smem:$0x3FC8]  }
0x93: {  	s6 =	simm.s32 $0xA;
	s7 =	simm.s32 $0x10;
	s5 =	sld [smem:$0x3FC7]  }
0x94: {  	[smem:s7], [sflag:s6] =	dma.local [hbm:s2], $0x1  }
0x95: {  	_ =	swait.eq [sflag:s6], $0x1  }
0x96: {  	s16 =	sld [smem:$0x10];
	[sflag:s6] =	ssyncset.done $0x0  }
0x97: {  	s17 =	sld [smem:$0x11];
	[sflag:s6] =	ssyncadd.s32 $0xFFFFFFFF  }
0x98: {  	s18 =	sld [smem:$0x12];
	(tm) =	ssettm $0x1  }
0x99: {  	s8 =	sld [smem:$0x3FFB];
	_ =	sdelay $0x3  }
0x9a: {  	_ =	strace s8  }
0x9b: {  	s8 =	sld [smem:$0x3FFC];
	_ =	sdelay $0x3  }
0x9c: {  	_ =	strace s8  }
0x9d: {  	s8 =	sld [smem:$0x3FFD];
	_ =	sdelay $0x3  }
0x9e: {  	_ =	strace s8  }
0x9f: {  	_ =	strace $0x8FFFFFFF  }
0xa0: {  	s19 =	sld [smem:$0x3FDB];
	_ =	sdelay $0x1  }
0xa1: {  	s9 =	simm.s32 $_scs_section_size  }
0xa2: {  	s10 =	simm.s32 $_size__tile_overlayer_lowered;
	s11 =	simm.s32 $_tile_overlayer_lowered  }
0xa3: {  	s22 =	simm.s32 $0x1BFF;
	s21 =	sshll.u32 s11, $0x1;
	s8 =	sadd.s32 s9, s19  }
0xa4: {  	s12 =	simm.s32 $0x0;
	s20 =	sshll.u32 s10, $0x1;
	s10 =	sadd.s32 s21, s8  }
0xa5: {  	[timem:s12], [sflag:s22] =	dma.local [hbm:s10], s20  }
0xa6: {  	_ =	swait.ge [sflag:s22], s20  }
0xa7: {  	s9 =	ssub.s32 $0x0, s20;
	[sflag:s22] =	ssyncset.done $0x0  }
0xa8: {  	[sflag:s22] =	ssyncadd.s32 s9;
	_ =	sdelay $0x1  }
0xa9: {  	s23 =	simm.s32 $0x1B8B  }
0xaa: {  	_ =	swait.ge [sflag:s23], $0x1  }
0xab: {  	[sflag:s23] =	ssyncset.done $0x0  }
0xac: {  	s25 =	simm.s32 $0x1B8E;
	s24 =	sld [smem:$0x3FFE];
	[sflag:s23] =	ssyncadd.s32 $0xFFFFFFFF  }
0xad: {  	s26 =	simm.s32 $execute0_lowered;
	[smem:$0x3FD2] =	sst s25  }
0xae: {  	s10 =	sshll.u32 s26, $0x1;
	_ =	strace $0x80000046;
	[dreg:$0x1] =	wrdreg $0xFFFFFFFF  }
0xaf: {  	s28 =	simm.s32 $_size_execute0_lowered;
	s8 =	sadd.s32 s8, s10;
	[dreg:$0x0] =	wrdreg $0x0  }
0xb0: {  	s10 =	sshll.u32 s28, $0x1;
	[dreg:$0x2] =	wrdreg s8  }
0xb1: {  	[dreg:$0x3] =	wrdreg s10  }
0xb2: {  	[dreg:$0x4] =	wrdreg $0xC0  }
0xb3: {  	_ =	task [dreg:s12], $0x5FFFF  }
0xb4: {  	[dreg:$0x1] =	wrdreg $0xFFFFFFFF  }
0xb5: {  	[dreg:$0x0] =	wrdreg $0x60  }
0xb6: {  	[dreg:$0x2] =	wrdreg s15  }
0xb7: {  	[dreg:$0x3] =	wrdreg s4  }
0xb8: {  	[dreg:$0x4] =	wrdreg s5  }
0xb9: {  	[dreg:$0x5] =	wrdreg s24  }
0xba: {  	[dreg:$0x6] =	wrdreg s16  }
0xbb: {  	[dreg:$0x7] =	wrdreg s17  }
0xbc: {  	[dreg:$0x8] =	wrdreg s18  }
0xbd: {  	[dreg:$0x9] =	wrdreg $0x9  }
0xbe: {  	_ =	task.clear_ibuf [dreg:s12], $0xAFFFF;
	_ =	strace $0x90000046  }
0xbf: {  	s29 =	simm.s32 $0x9;
	_ =	strace $0x80000048  }
0xc0: {  	_ =	swait.ge [sflag:s29], $0x1  }
0xc1: {  	[sflag:s29] =	ssyncadd.s32 $0xFFFFFFFF  }
0xc2: {  	_ =	strace $0x90000048  }
0xc3: {  	_ =	sfence  }
0xc4: {  	s30 =	sld [smem:$0x0];
	_ =	sdelay $0x2  }
0xc5: {  	s31 =	sshll.u32 s1, $0xD;
	s1 =	sshrl.u32 s1, $0x2  }
0xc6: {  	s3 =	sand.u32 $0x4000, s31;
	s1 =	sadd.s32 s1, s30  }
0xc7: {  	s0 =	sor.u32 s3, s0;
	s1 =	sshll.u32 s1, $0x11  }
0xc8: {  	s0 =	sor.u32 s1, s0  }
0xc9: {  	s0 =	sadd.s32 $0x8F2B, s0  }
0xca: {  	[sflag:s0] =	ssyncadd.remote.s32 $0x1  }
0xcb: {  	_ =	sfence.sel $0xFFFF  }
0xcc: {  	[dreg:$0x0] =	wrdreg $0xFFFFFFFF;
	(pc) =	sbr.abs _section_cstart, $3  }
0xcd: {  	[dreg:$0x1] =	wrdreg $0xFFFFFFFF  }
0xce: {  	_ =	task.clear_ibuf [dreg:s12], $0x2FFFF;
	_ =	strace $0x9FFFFFFF  }
0xcf: {  	(tm) =	ssettm $0x7FFFFFFF  }
tec
execute0_lowered:
.L_overlay_start_1:
0x0: {  	(tag) =	ssettag $0x1  }
0x1: {  	s0 =	rddreg [dreg:$0x0]  }
0x2: {  	s1 =	rddreg [dreg:$0x1]  }
0x3: {  	s3 =	rddreg [dreg:$0x2]  }
0x4: {  	s5 =	rddreg [dreg:$0x3]  }
0x5: {  	s6 =	rddreg [dreg:$0x4]  }
0x6: {  	s2 =	srdreg.scid;
	s7 =	rddreg [dreg:$0x5]  }
0x7: {  	s15 =	stileid.u32;
	s10 =	rddreg [dreg:$0x6];
	s17 =	simm.s32 $0xE880  }
0x8: {  	s18 =	simm.s32 $0xF180;
	s19 =	simm.s32 $0x10180;
	s20 =	simm.s32 $0x11A80  }
0x9: {  	s21 =	simm.s32 $0x12380;
	s8 =	sand.u32 $0x1, s2;
	s2 =	simm.s32 $0x0  }
0xa: {  	s22 =	simm.s32 $0x13380;
	s24 =	sadd.s32 $0x1314400, s5;
	[smem:$0x7FF] =	sst s2  }
0xb: {  	s23 =	simm.s32 $0x17E80;
	_ =	strace $0x80000047;
	[dreg:$0x12] =	wrdreg s24  }
0xc: {  	s28 =	simm.s32 $0x2;
	s29 =	simm.s32 $0x4;
	[dreg:$0x8] =	wrdreg s17  }
0xd: {  	s30 =	simm.s32 $0x3;
	s31 =	simm.s32 $0x5;
	[dreg:$0x9] =	wrdreg s18  }
0xe: {  	s4 =	sshll.u32 s15, $0x8;
	s9 =	sshll.u32 s8, $0x7;
	[dreg:$0xa] =	wrdreg s19  }
0xf: {  	s12 =	ssub.s32 $0x2, s8;
	s9 =	sor.u32 s9, s4;
	[dreg:$0xb] =	wrdreg s20  }
0x10: {  	s13 =	sshrl.u32 s12, $0x1;
	s17 =	simm.s32 $0x80;
	[dreg:$0xc] =	wrdreg s21  }
0x11: {  	s18 =	simm.s32 $0x1;
	s19 =	simm.s32 $0x20;
	[dreg:$0xd] =	wrdreg s22  }
0x12: {  	s20 =	simm.s32 $0x40;
	[dreg:$0xe] =	wrdreg s23;
	s24 =	simm.s32 $0x18780  }
0x13: {  	s23 =	simm.s32 $0xD880;
	s22 =	simm.s32 $0x9;
	s4 =	smul.u32 $0x19, s9  }
0x14: {  	s12 =	ssub.s32 s12, s13;
	s25 =	sshrl.u32 s9, $0x3;
	s14 =	sshll.u32 s9, $0x2  }
0x15: {  	s13 =	smul.u32 $0x32000, s8;
	[dreg:$0xf] =	wrdreg s24;
	s0 =	sadd.s32 s0, s25  }
0x16: {  	s24 =	simm.s32 $0x48;
	s26 =	sadd.s32 s6, s14;
	[dreg:$0x13] =	wrdreg s0  }
0x17: {  	s6 =	sshll.u32 s9, $0x3;
	s1 =	sadd.s32 s1, s25;
	[dreg:$0x14] =	wrdreg s26  }
0x18: {  	s9 =	smul.u32 $0x64000, s15;
	s3 =	sadd.s32 s3, s25;
	[dreg:$0x15] =	wrdreg s1  }
0x19: {  	s16 =	smax.u32 s12, $0x1;
	s25 =	simm.s32 $0x19780;
	[dreg:$0x17] =	wrdreg s3  }
0x1a: {  	s11 =	sadd.s32 s4, s5;
	s4 =	sadd.s32 $0xF43A00, s5;
	[dreg:$0x1b] =	wrdreg s16  }
0x1b: {  	s5 =	sadd.s32 $0x1600, s5;
	s7 =	sadd.s32 s7, s6;
	[dreg:$0x10] =	wrdreg s25  }
0x1c: {  	s16 =	simm.s32 $0xA;
	s26 =	simm.s32 $0x13C80;
	[dreg:$0x16] =	wrdreg s7  }
0x1d: {  	s25 =	simm.s32 $0x10A80;
	s1 =	sadd.s32 $0x4, s7;
	[dreg:$0x11] =	wrdreg s26  }
0x1e: {  	s3 =	simm.s32 $0x0;
	s14 =	sadd.s32 $0x7C200, s11;
	[dreg:$0x18] =	wrdreg s1  }
0x1f: {  	s15 =	sadd.s32 $0x63200, s11;
	s0 =	sadd.s32 s9, s10;
	[dreg:$0x19] =	wrdreg s14  }
0x20: {  	s26 =	simm.s32 $0x16E80;
	[dreg:$0x1a] =	wrdreg s15;
	s15 =	sadd.s32 s13, s0  }
.LBB2_1:
0x21: {  	s0 =	rddreg [dreg:$0x13]  }
0x22: {  	[tilespmem:s2], [sflag:$0xA] =	stream.linear.gather [hbm4b:s0+s2], $0x80, $0x38;
	[tilespmem:$0x1A080] =	vst v63  }
0x23: {  	_ =	swait.ge [sflag:s16], $0x80  }
0x24: {  	[sflag:s16] =	ssyncset.done $0x0  }
0x25: {  	s1 =	rddreg [dreg:$0x12];
	[sflag:s16] =	ssyncadd.s32 $0xFFFFFF80  }
0x26: {  	[tilespmem:s17], [sflag:$0x1] =	stream.indirect.gather [hbm4b:s1+s17], $0x20, s2, s17, $0xb8;
	[tilespmem:$0x1A080] =	vst v63  }
0x27: {  	_ =	swait.ge [sflag:s18], $0x1000  }
0x28: {  	[sflag:s18] =	ssyncset.done $0x0  }
0x29: {  	s6 =	rddreg [dreg:$0x14];
	[sflag:s18] =	ssyncadd.s32 $0xFFFFF000  }
0x2a: {  	[hbm4b:s6+s2] =	stream.linear.scatter [tilespmem:s17], [sflag:$0xA], $0x1000, $0x38;
	[tilespmem:$0x1A080] =	vst v63  }
0x2b: {  	_ =	swait.ge [sflag:s16], $0x1000  }
0x2c: {  	[sflag:s16] =	ssyncset.done $0x0  }
0x2d: {  	s7 =	rddreg [dreg:$0x15];
	[sflag:s16] =	ssyncadd.s32 $0xFFFFF000  }
0x2e: {  	[tilespmem:s2], [sflag:$0xA] =	stream.linear.gather [hbm4b:s7+s2], $0x80, $0x38;
	[tilespmem:$0x1A080] =	vst v63  }
0x2f: {  	_ =	swait.ge [sflag:s16], $0x80  }
0x30: {  	[sflag:s16] =	ssyncset.done $0x0  }
0x31: {  	[sflag:s16] =	ssyncadd.s32 $0xFFFFFF80  }
0x32: {  	[tilespmem:s17], [sflag:$0x1] =	stream.indirect.gather [hbm4b:s4+s17], $0x20, s2, s17, $0xb8;
	[tilespmem:$0x1A080] =	vst v63  }
0x33: {  	_ =	swait.ge [sflag:s18], $0x1000  }
0x34: {  	[sflag:s18] =	ssyncset.done $0x0  }
0x35: {  	s8 =	rddreg [dreg:$0x16];
	[sflag:s18] =	ssyncadd.s32 $0xFFFFF000  }
0x36: {  	[hbm4b:s8+s19] =	stream.strided.scatter [tilespmem:s17], [sflag:$0xA], $0x1000, s20, s19, $0x38;
	[tilespmem:$0x1A080] =	vst v63  }
0x37: {  	_ =	swait.ge [sflag:s16], $0x1000  }
0x38: {  	[sflag:s16] =	ssyncset.done $0x0  }
0x39: {  	s9 =	rddreg [dreg:$0x17];
	[sflag:s16] =	ssyncadd.s32 $0xFFFFF000  }
0x3a: {  	[tilespmem:s2], [sflag:$0xA] =	stream.linear.gather [hbm4b:s9+s2], $0x80, $0x38;
	[tilespmem:$0x1A080] =	vst v63  }
0x3b: {  	_ =	swait.ge [sflag:s16], $0x80  }
0x3c: {  	[sflag:s16] =	ssyncset.done $0x0  }
0x3d: {  	[sflag:s16] =	ssyncadd.s32 $0xFFFFFF80  }
0x3e: {  	[tilespmem:s17], [sflag:$0x1] =	stream.indirect.gather [hbm4b:s5+s17], $0x20, s2, s17, $0xb8;
	[tilespmem:$0x1A080] =	vst v63  }
0x3f: {  	_ =	swait.ge [sflag:s18], $0x1000  }
0x40: {  	[sflag:s18] =	ssyncset.done $0x0  }
0x41: {  	s10 =	rddreg [dreg:$0x18];
	[sflag:s18] =	ssyncadd.s32 $0xFFFFF000  }
0x42: {  	[hbm4b:s10+s19] =	stream.strided.scatter [tilespmem:s17], [sflag:$0xA], $0x1000, s20, s19, $0x38;
	[tilespmem:$0x1A080] =	vst v63  }
0x43: {  	_ =	swait.ge [sflag:s16], $0x1000  }
0x44: {  	[sflag:s16] =	ssyncset.done $0x0  }
0x45: {  	s1 =	simm.s32 $0x1080;
	s11 =	rddreg [dreg:$0x19];
	[sflag:s16] =	ssyncadd.s32 $0xFFFFF000  }
0x46: {  	[tilespmem:s1], [sflag:$0xA] =	stream.linear.gather [hbm4b:s11+s2], $0x6400, $0x38;
	[tilespmem:$0x1A080] =	vst v63  }
0x47: {  	_ =	swait.ge [sflag:s16], $0x6400  }
0x48: {  	[sflag:s16] =	ssyncset.done $0x0  }
0x49: {  	s13 =	simm.s32 $0x7480;
	s12 =	rddreg [dreg:$0x1a];
	[sflag:s16] =	ssyncadd.s32 $0xFFFF9C00  }
0x4a: {  	[tilespmem:s13], [sflag:$0xA] =	stream.linear.gather [hbm4b:s12+s2], $0x6400, $0x38;
	[tilespmem:$0x1A080] =	vst v63  }
0x4b: {  	_ =	swait.ge [sflag:s16], $0x6400  }
0x4c: {  	p0 =	por $0x1, $0x1;
	[sflag:s16] =	ssyncset.done $0x0  }
0x4d: {  	s6 =	simm.s32 @!p0 $0x6;
	[sflag:s16] =	ssyncadd.s32 $0xFFFF9C00  }
0x4e: {  	_ =	swait.ge @!p0 [sflag:s6], $0x3200  }
0x4f: {  	[sflag:s6] =	ssyncset.done @!p0 $0x0  }
0x50: {  	s14 =	simm.s32 $0x1080;
	[sflag:s6] =	ssyncadd.s32 @!p0 $0xFFFFCE00  }
0x51: {  	[tilespmem:s23], [sflag:$0x2] =	stream.indirect.gather [hbm4b:s4+s17], $0x20, s14, s17, $0xb8;
	[tilespmem:$0x1A080] =	vst v63  }
0x52: {  	s21 =	simm.s32 $0x1100;
	s7 =	rddreg [dreg:$0x8]  }
0x53: {  	[tilespmem:s7], [sflag:$0x2] =	stream.indirect.gather [hbm4b:s4+s24], $0x20, s21, s24, $0xb8;
	[tilespmem:$0x1A080] =	vst v63  }
0x54: {  	s0 =	simm.s32 $0x1148;
	s8 =	rddreg [dreg:$0x9]  }
0x55: {  	[tilespmem:s8], [sflag:$0x2] =	stream.indirect.gather [hbm4b:s4+s17], $0x20, s0, s17, $0xb8;
	[tilespmem:$0x1A080] =	vst v63  }
0x56: {  	s1 =	rddreg [dreg:$0xa];
	s8 =	simm.s32 $0x11C8  }
0x57: {  	[tilespmem:s1], [sflag:$0x2] =	stream.indirect.gather [hbm4b:s4+s24], $0x20, s8, s24, $0xb8;
	[tilespmem:$0x1A080] =	vst v63  }
0x58: {  	s6 =	simm.s32 @p0 $0x80;
	s7 =	simm.s32 @p0 $0x13C80;
	s8 =	simm.s32 @p0 $0x7480  }
0x59: {  	[tilespmem:s7], [sflag:$0x4] =	stream.indirect.gather @p0 [hbm4b:s5+s6], $0x20, s8, s6, $0xb8;
	[tilespmem:$0x1A080] =	vst v63  }
0x5a: {  	s10 =	simm.s32 @p0 $0x14C80;
	s7 =	simm.s32 @p0 $0x7500;
	s8 =	simm.s32 @p0 $0x48  }
0x5b: {  	[tilespmem:s10], [sflag:$0x4] =	stream.indirect.gather @p0 [hbm4b:s5+s8], $0x20, s7, s8, $0xb8;
	[tilespmem:$0x1A080] =	vst v63  }
0x5c: {  	s7 =	simm.s32 @p0 $0x7548;
	s10 =	simm.s32 @p0 $0x15580  }
0x5d: {  	[tilespmem:s10], [sflag:$0x4] =	stream.indirect.gather @p0 [hbm4b:s5+s6], $0x20, s7, s6, $0xb8;
	[tilespmem:$0x1A080] =	vst v63  }
0x5e: {  	s6 =	simm.s32 @p0 $0x75C8;
	s7 =	simm.s32 @p0 $0x16580;
	s10 =	simm.s32 @!p0 $0x8  }
0x5f: {  	[tilespmem:s7], [sflag:$0x4] =	stream.indirect.gather @p0 [hbm4b:s5+s8], $0x20, s6, s8, $0xb8;
	[tilespmem:$0x1A080] =	vst v63  }
0x60: {  	_ =	swait.ge @!p0 [sflag:s10], $0x3200  }
0x61: {  	s6 =	simm.s32 @!p0 $0x13C80;
	[sflag:s10] =	ssyncset.done @!p0 $0x0  }
0x62: {  	s7 =	simm.s32 @!p0 $0x7480;
	s8 =	simm.s32 @!p0 $0x80;
	[sflag:s10] =	ssyncadd.s32 @!p0 $0xFFFFCE00  }
0x63: {  	[tilespmem:s6], [sflag:$0x4] =	stream.indirect.gather @!p0 [hbm4b:s5+s8], $0x20, s7, s8, $0xb8;
	[tilespmem:$0x1A080] =	vst v63  }
0x64: {  	s10 =	simm.s32 @!p0 $0x48;
	s6 =	simm.s32 @!p0 $0x14C80;
	s7 =	simm.s32 @!p0 $0x7500  }
0x65: {  	[tilespmem:s6], [sflag:$0x4] =	stream.indirect.gather @!p0 [hbm4b:s5+s10], $0x20, s7, s10, $0xb8;
	[tilespmem:$0x1A080] =	vst v63  }
0x66: {  	s6 =	simm.s32 @!p0 $0x7548;
	s7 =	simm.s32 @!p0 $0x15580  }
0x67: {  	[tilespmem:s7], [sflag:$0x4] =	stream.indirect.gather @!p0 [hbm4b:s5+s8], $0x20, s6, s8, $0xb8;
	[tilespmem:$0x1A080] =	vst v63  }
0x68: {  	s6 =	simm.s32 @!p0 $0x75C8;
	s7 =	simm.s32 @!p0 $0x16580;
	s8 =	simm.s32 @!p0 $0x7  }
0x69: {  	[tilespmem:s7], [sflag:$0x4] =	stream.indirect.gather @!p0 [hbm4b:s5+s10], $0x20, s6, s10, $0xb8;
	[tilespmem:$0x1A080] =	vst v63  }
0x6a: {  	_ =	swait.ge @!p0 [sflag:s8], $0x3200  }
0x6b: {  	[sflag:s8] =	ssyncset.done @!p0 $0x0  }
0x6c: {  	s9 =	simm.s32 $0x1210;
	[sflag:s8] =	ssyncadd.s32 @!p0 $0xFFFFCE00  }
0x6d: {  	[tilespmem:s25], [sflag:$0x3] =	stream.indirect.gather [hbm4b:s4+s17], $0x20, s9, s17, $0xb8;
	[tilespmem:$0x1A080] =	vst v63  }
0x6e: {  	s11 =	simm.s32 $0x1290;
	s10 =	rddreg [dreg:$0xb]  }
0x6f: {  	[tilespmem:s10], [sflag:$0x3] =	stream.indirect.gather [hbm4b:s4+s24], $0x20, s11, s24, $0xb8;
	[tilespmem:$0x1A080] =	vst v63  }
0x70: {  	s13 =	simm.s32 $0x12D8;
	s12 =	rddreg [dreg:$0xc]  }
0x71: {  	[tilespmem:s12], [sflag:$0x3] =	stream.indirect.gather [hbm4b:s4+s17], $0x20, s13, s17, $0xb8;
	[tilespmem:$0x1A080] =	vst v63  }
0x72: {  	s21 =	simm.s32 $0x1358;
	s14 =	rddreg [dreg:$0xd];
	s8 =	simm.s32 @!p0 $0x9  }
0x73: {  	[tilespmem:s14], [sflag:$0x3] =	stream.indirect.gather [hbm4b:s4+s24], $0x20, s21, s24, $0xb8;
	[tilespmem:$0x1A080] =	vst v63  }
0x74: {  	_ =	swait.ge @!p0 [sflag:s8], $0x3200  }
0x75: {  	[sflag:s8] =	ssyncset.done @!p0 $0x0  }
0x76: {  	s0 =	simm.s32 $0x7610;
	[sflag:s8] =	ssyncadd.s32 @!p0 $0xFFFFCE00  }
0x77: {  	[tilespmem:s26], [sflag:$0x5] =	stream.indirect.gather [hbm4b:s5+s17], $0x20, s0, s17, $0xb8;
	[tilespmem:$0x1A080] =	vst v63  }
0x78: {  	s1 =	rddreg [dreg:$0xe];
	s8 =	simm.s32 $0x7690  }
0x79: {  	[tilespmem:s1], [sflag:$0x5] =	stream.indirect.gather [hbm4b:s5+s24], $0x20, s8, s24, $0xb8;
	[tilespmem:$0x1A080] =	vst v63  }
0x7a: {  	s10 =	simm.s32 $0x76D8;
	s9 =	rddreg [dreg:$0xf]  }
0x7b: {  	[tilespmem:s9], [sflag:$0x5] =	stream.indirect.gather [hbm4b:s5+s17], $0x20, s10, s17, $0xb8;
	[tilespmem:$0x1A080] =	vst v63  }
0x7c: {  	s12 =	simm.s32 $0x7758;
	s11 =	rddreg [dreg:$0x10]  }
0x7d: {  	[tilespmem:s11], [sflag:$0x5] =	stream.indirect.gather [hbm4b:s5+s24], $0x20, s12, s24, $0xb8;
	[tilespmem:$0x1A080] =	vst v63  }
0x7e: {  	_ =	swait.ge [sflag:s28], $0x1000  }
0x7f: {  	[sflag:s28] =	ssyncset.done $0x0  }
0x80: {  	[sflag:s28] =	ssyncadd.s32 $0xFFFFF000  }
0x81: {  	_ =	swait.ge [sflag:s28], $0x900  }
0x82: {  	[sflag:s28] =	ssyncset.done $0x0  }
0x83: {  	[sflag:s28] =	ssyncadd.s32 $0xFFFFF700  }
0x84: {  	_ =	swait.ge [sflag:s28], $0x1000  }
0x85: {  	[sflag:s28] =	ssyncset.done $0x0  }
0x86: {  	[sflag:s28] =	ssyncadd.s32 $0xFFFFF000  }
0x87: {  	_ =	swait.ge [sflag:s28], $0x900  }
0x88: {  	[sflag:s28] =	ssyncset.done $0x0  }
0x89: {  	[sflag:s28] =	ssyncadd.s32 $0xFFFFF700  }
0x8a: {  	[hbm4b:s15+s19] =	stream.strided.scatter [tilespmem:s23], [sflag:$0x6], $0x3200, s20, s19, $0x38;
	[tilespmem:$0x1A080] =	vst v63  }
0x8b: {  	_ =	swait.ge [sflag:s29], $0x1000  }
0x8c: {  	[sflag:s29] =	ssyncset.done $0x0  }
0x8d: {  	[sflag:s29] =	ssyncadd.s32 $0xFFFFF000  }
0x8e: {  	_ =	swait.ge [sflag:s29], $0x900  }
0x8f: {  	[sflag:s29] =	ssyncset.done $0x0  }
0x90: {  	[sflag:s29] =	ssyncadd.s32 $0xFFFFF700  }
0x91: {  	_ =	swait.ge [sflag:s29], $0x1000  }
0x92: {  	[sflag:s29] =	ssyncset.done $0x0  }
0x93: {  	[sflag:s29] =	ssyncadd.s32 $0xFFFFF000  }
0x94: {  	_ =	swait.ge [sflag:s29], $0x900  }
0x95: {  	[sflag:s29] =	ssyncset.done $0x0  }
0x96: {  	s14 =	sadd.s32 $0x4, s15;
	s13 =	rddreg [dreg:$0x11];
	[sflag:s29] =	ssyncadd.s32 $0xFFFFF700  }
0x97: {  	[hbm4b:s14+s19] =	stream.strided.scatter [tilespmem:s13], [sflag:$0x8], $0x3200, s20, s19, $0x38;
	[tilespmem:$0x1A080] =	vst v63  }
0x98: {  	_ =	swait.ge [sflag:s30], $0x1000  }
0x99: {  	[sflag:s30] =	ssyncset.done $0x0  }
0x9a: {  	[sflag:s30] =	ssyncadd.s32 $0xFFFFF000  }
0x9b: {  	_ =	swait.ge [sflag:s30], $0x900  }
0x9c: {  	[sflag:s30] =	ssyncset.done $0x0  }
0x9d: {  	[sflag:s30] =	ssyncadd.s32 $0xFFFFF700  }
0x9e: {  	_ =	swait.ge [sflag:s30], $0x1000  }
0x9f: {  	[sflag:s30] =	ssyncset.done $0x0  }
0xa0: {  	[sflag:s30] =	ssyncadd.s32 $0xFFFFF000  }
0xa1: {  	_ =	swait.ge [sflag:s30], $0x900  }
0xa2: {  	[sflag:s30] =	ssyncset.done $0x0  }
0xa3: {  	s21 =	sadd.s32 $0xC80, s15;
	[sflag:s30] =	ssyncadd.s32 $0xFFFFF700  }
0xa4: {  	[hbm4b:s21+s19] =	stream.strided.scatter [tilespmem:s25], [sflag:$0x7], $0x3200, s20, s19, $0x38;
	[tilespmem:$0x1A080] =	vst v63  }
0xa5: {  	_ =	swait.ge [sflag:s31], $0x1000  }
0xa6: {  	[sflag:s31] =	ssyncset.done $0x0  }
0xa7: {  	[sflag:s31] =	ssyncadd.s32 $0xFFFFF000  }
0xa8: {  	_ =	swait.ge [sflag:s31], $0x900  }
0xa9: {  	[sflag:s31] =	ssyncset.done $0x0  }
0xaa: {  	[sflag:s31] =	ssyncadd.s32 $0xFFFFF700  }
0xab: {  	_ =	swait.ge [sflag:s31], $0x1000  }
0xac: {  	[sflag:s31] =	ssyncset.done $0x0  }
0xad: {  	p1 =	por $0x0, $0x0;
	[sflag:s31] =	ssyncadd.s32 $0xFFFFF000  }
0xae: {  	s7 =	simm.s32 $0xC80;
	s6 =	sadd.s32 $0x1900, s15;
	_ =	swait.ge [sflag:s31], $0x900  }
0xaf: {  	s8 =	simm.s32 $0x1900;
	s11 =	sadd.s32 $0xC84, s15;
	[sflag:s31] =	ssyncset.done $0x0  }
.LBB2_2:
0xb0: {  	s13 =	simm.s32 @!p1 $0x6;
	[sflag:s31] =	ssyncadd.s32 $0xFFFFF700  }
0xb1: {  	[hbm4b:s11+s19] =	stream.strided.scatter [tilespmem:s26], [sflag:$0x9], $0x3200, s20, s19, $0x38;
	[tilespmem:$0x1A080] =	vst v63  }
0xb2: {  	_ =	swait.ge @!p1 [sflag:s13], $0x3200  }
0xb3: {  	s11 =	sshra.s32 s7, $0x2;
	[sflag:s13] =	ssyncset.done @!p1 $0x0  }
0xb4: {  	s0 =	sadd.s32 $0x1080, s11;
	[sflag:s13] =	ssyncadd.s32 @!p1 $0xFFFFCE00  }
0xb5: {  	[tilespmem:s23], [sflag:$0x2] =	stream.indirect.gather [hbm4b:s4+s17], $0x20, s0, s17, $0xb8;
	[tilespmem:$0x1A080] =	vst v63  }
0xb6: {  	s1 =	sadd.s32 $0x1100, s11;
	s14 =	rddreg [dreg:$0x8]  }
0xb7: {  	[tilespmem:s14], [sflag:$0x2] =	stream.indirect.gather [hbm4b:s4+s24], $0x20, s1, s24, $0xb8;
	[tilespmem:$0x1A080] =	vst v63  }
0xb8: {  	s9 =	rddreg [dreg:$0x9];
	s14 =	sadd.s32 $0x1148, s11  }
0xb9: {  	[tilespmem:s9], [sflag:$0x2] =	stream.indirect.gather [hbm4b:s4+s17], $0x20, s14, s17, $0xb8;
	[tilespmem:$0x1A080] =	vst v63  }
0xba: {  	s21 =	sadd.s32 $0x11C8, s11;
	s1 =	rddreg [dreg:$0xa];
	s9 =	sshra.s32 @p1 s7, $0x2  }
0xbb: {  	[tilespmem:s1], [sflag:$0x2] =	stream.indirect.gather [hbm4b:s4+s24], $0x20, s21, s24, $0xb8;
	[tilespmem:$0x1A080] =	vst v63  }
0xbc: {  	s13 =	simm.s32 @p1 $0x80;
	s0 =	simm.s32 @p1 $0x13C80;
	s1 =	sadd.s32 @p1 $0x7480, s9  }
0xbd: {  	[tilespmem:s0], [sflag:$0x4] =	stream.indirect.gather @p1 [hbm4b:s5+s13], $0x20, s1, s13, $0xb8;
	[tilespmem:$0x1A080] =	vst v63  }
0xbe: {  	s14 =	sadd.s32 @p1 $0x7500, s9;
	s0 =	simm.s32 @p1 $0x48;
	s1 =	simm.s32 @p1 $0x14C80  }
0xbf: {  	[tilespmem:s1], [sflag:$0x4] =	stream.indirect.gather @p1 [hbm4b:s5+s0], $0x20, s14, s0, $0xb8;
	[tilespmem:$0x1A080] =	vst v63  }
0xc0: {  	s21 =	sadd.s32 @p1 $0x7548, s9;
	s1 =	simm.s32 @p1 $0x15580  }
0xc1: {  	[tilespmem:s1], [sflag:$0x4] =	stream.indirect.gather @p1 [hbm4b:s5+s13], $0x20, s21, s13, $0xb8;
	[tilespmem:$0x1A080] =	vst v63  }
0xc2: {  	s9 =	sadd.s32 @p1 $0x75C8, s9;
	s1 =	simm.s32 @p1 $0x16580;
	s13 =	simm.s32 @!p1 $0x8  }
0xc3: {  	[tilespmem:s1], [sflag:$0x4] =	stream.indirect.gather @p1 [hbm4b:s5+s0], $0x20, s9, s0, $0xb8;
	[tilespmem:$0x1A080] =	vst v63  }
0xc4: {  	s12 =	smov.u32 s8;
	_ =	swait.ge @!p1 [sflag:s13], $0x3200  }
0xc5: {  	s1 =	sshra.s32 @!p1 s7, $0x2;
	s7 =	simm.s32 @!p1 $0x13C80;
	[sflag:s13] =	ssyncset.done @!p1 $0x0  }
0xc6: {  	s9 =	sadd.s32 @!p1 $0x7480, s1;
	[sflag:s13] =	ssyncadd.s32 @!p1 $0xFFFFCE00;
	s13 =	simm.s32 @!p1 $0x80  }
0xc7: {  	[tilespmem:s7], [sflag:$0x4] =	stream.indirect.gather @!p1 [hbm4b:s5+s13], $0x20, s9, s13, $0xb8;
	[tilespmem:$0x1A080] =	vst v63  }
0xc8: {  	s0 =	simm.s32 @!p1 $0x14C80;
	s7 =	sadd.s32 @!p1 $0x7500, s1;
	s9 =	simm.s32 @!p1 $0x48  }
0xc9: {  	[tilespmem:s0], [sflag:$0x4] =	stream.indirect.gather @!p1 [hbm4b:s5+s9], $0x20, s7, s9, $0xb8;
	[tilespmem:$0x1A080] =	vst v63  }
0xca: {  	s14 =	sadd.s32 @!p1 $0x7548, s1;
	s1 =	sadd.s32 @!p1 $0x75C8, s1;
	s0 =	simm.s32 @!p1 $0x15580  }
0xcb: {  	[tilespmem:s0], [sflag:$0x4] =	stream.indirect.gather @!p1 [hbm4b:s5+s13], $0x20, s14, s13, $0xb8;
	[tilespmem:$0x1A080] =	vst v63  }
0xcc: {  	s7 =	smov.u32 s12;
	s12 =	simm.s32 @!p1 $0x7;
	s0 =	simm.s32 @!p1 $0x16580  }
0xcd: {  	[tilespmem:s0], [sflag:$0x4] =	stream.indirect.gather @!p1 [hbm4b:s5+s9], $0x20, s1, s9, $0xb8;
	[tilespmem:$0x1A080] =	vst v63  }
0xce: {  	_ =	swait.ge @!p1 [sflag:s12], $0x3200  }
0xcf: {  	[sflag:s12] =	ssyncset.done @!p1 $0x0  }
0xd0: {  	s14 =	sadd.s32 $0x1210, s11;
	[sflag:s12] =	ssyncadd.s32 @!p1 $0xFFFFCE00  }
0xd1: {  	[tilespmem:s25], [sflag:$0x3] =	stream.indirect.gather [hbm4b:s4+s17], $0x20, s14, s17, $0xb8;
	[tilespmem:$0x1A080] =	vst v63  }
0xd2: {  	s9 =	sadd.s32 $0x1290, s11;
	s21 =	rddreg [dreg:$0xb]  }
0xd3: {  	[tilespmem:s21], [sflag:$0x3] =	stream.indirect.gather [hbm4b:s4+s24], $0x20, s9, s24, $0xb8;
	[tilespmem:$0x1A080] =	vst v63  }
0xd4: {  	s13 =	sadd.s32 $0x12D8, s11;
	s12 =	rddreg [dreg:$0xc]  }
0xd5: {  	[tilespmem:s12], [sflag:$0x3] =	stream.indirect.gather [hbm4b:s4+s17], $0x20, s13, s17, $0xb8;
	[tilespmem:$0x1A080] =	vst v63  }
0xd6: {  	s14 =	rddreg [dreg:$0xd];
	s21 =	sadd.s32 $0x1358, s11;
	s9 =	simm.s32 @!p1 $0x9  }
0xd7: {  	[tilespmem:s14], [sflag:$0x3] =	stream.indirect.gather [hbm4b:s4+s24], $0x20, s21, s24, $0xb8;
	[tilespmem:$0x1A080] =	vst v63  }
0xd8: {  	_ =	swait.ge @!p1 [sflag:s9], $0x3200  }
0xd9: {  	[sflag:s9] =	ssyncset.done @!p1 $0x0  }
0xda: {  	s1 =	sadd.s32 $0x7610, s11;
	[sflag:s9] =	ssyncadd.s32 @!p1 $0xFFFFCE00  }
0xdb: {  	[tilespmem:s26], [sflag:$0x5] =	stream.indirect.gather [hbm4b:s5+s17], $0x20, s1, s17, $0xb8;
	[tilespmem:$0x1A080] =	vst v63  }
0xdc: {  	s12 =	sadd.s32 $0x7690, s11;
	s9 =	rddreg [dreg:$0xe]  }
0xdd: {  	[tilespmem:s9], [sflag:$0x5] =	stream.indirect.gather [hbm4b:s5+s24], $0x20, s12, s24, $0xb8;
	[tilespmem:$0x1A080] =	vst v63  }
0xde: {  	s14 =	sadd.s32 $0x76D8, s11;
	s13 =	rddreg [dreg:$0xf]  }
0xdf: {  	[tilespmem:s13], [sflag:$0x5] =	stream.indirect.gather [hbm4b:s5+s17], $0x20, s14, s17, $0xb8;
	[tilespmem:$0x1A080] =	vst v63  }
0xe0: {  	s21 =	rddreg [dreg:$0x10];
	s12 =	sadd.s32 $0x7758, s11  }
0xe1: {  	[tilespmem:s21], [sflag:$0x5] =	stream.indirect.gather [hbm4b:s5+s24], $0x20, s12, s24, $0xb8;
	[tilespmem:$0x1A080] =	vst v63  }
0xe2: {  	_ =	swait.ge [sflag:s28], $0x1000  }
0xe3: {  	[sflag:s28] =	ssyncset.done $0x0  }
0xe4: {  	[sflag:s28] =	ssyncadd.s32 $0xFFFFF000  }
0xe5: {  	_ =	swait.ge [sflag:s28], $0x900  }
0xe6: {  	[sflag:s28] =	ssyncset.done $0x0  }
0xe7: {  	[sflag:s28] =	ssyncadd.s32 $0xFFFFF700  }
0xe8: {  	_ =	swait.ge [sflag:s28], $0x1000  }
0xe9: {  	[sflag:s28] =	ssyncset.done $0x0  }
0xea: {  	[sflag:s28] =	ssyncadd.s32 $0xFFFFF000  }
0xeb: {  	_ =	swait.ge [sflag:s28], $0x900  }
0xec: {  	[sflag:s28] =	ssyncset.done $0x0  }
0xed: {  	[sflag:s28] =	ssyncadd.s32 $0xFFFFF700  }
0xee: {  	[hbm4b:s6+s19] =	stream.strided.scatter [tilespmem:s23], [sflag:$0x6], $0x3200, s20, s19, $0x38;
	[tilespmem:$0x1A080] =	vst v63  }
0xef: {  	_ =	swait.ge [sflag:s29], $0x1000  }
0xf0: {  	[sflag:s29] =	ssyncset.done $0x0  }
0xf1: {  	[sflag:s29] =	ssyncadd.s32 $0xFFFFF000  }
0xf2: {  	_ =	swait.ge [sflag:s29], $0x900  }
0xf3: {  	[sflag:s29] =	ssyncset.done $0x0  }
0xf4: {  	[sflag:s29] =	ssyncadd.s32 $0xFFFFF700  }
0xf5: {  	_ =	swait.ge [sflag:s29], $0x1000  }
0xf6: {  	[sflag:s29] =	ssyncset.done $0x0  }
0xf7: {  	[sflag:s29] =	ssyncadd.s32 $0xFFFFF000  }
0xf8: {  	_ =	swait.ge [sflag:s29], $0x900  }
0xf9: {  	[sflag:s29] =	ssyncset.done $0x0  }
0xfa: {  	s14 =	sadd.s32 $0x4, s6;
	s13 =	rddreg [dreg:$0x11];
	[sflag:s29] =	ssyncadd.s32 $0xFFFFF700  }
0xfb: {  	[hbm4b:s14+s19] =	stream.strided.scatter [tilespmem:s13], [sflag:$0x8], $0x3200, s20, s19, $0x38;
	[tilespmem:$0x1A080] =	vst v63  }
0xfc: {  	_ =	swait.ge [sflag:s30], $0x1000  }
0xfd: {  	[sflag:s30] =	ssyncset.done $0x0  }
0xfe: {  	[sflag:s30] =	ssyncadd.s32 $0xFFFFF000  }
0xff: {  	_ =	swait.ge [sflag:s30], $0x900  }
0x100: {  	[sflag:s30] =	ssyncset.done $0x0  }
0x101: {  	[sflag:s30] =	ssyncadd.s32 $0xFFFFF700  }
0x102: {  	_ =	swait.ge [sflag:s30], $0x1000  }
0x103: {  	[sflag:s30] =	ssyncset.done $0x0  }
0x104: {  	[sflag:s30] =	ssyncadd.s32 $0xFFFFF000  }
0x105: {  	_ =	swait.ge [sflag:s30], $0x900  }
0x106: {  	[sflag:s30] =	ssyncset.done $0x0  }
0x107: {  	s21 =	sadd.s32 $0xC80, s6;
	[sflag:s30] =	ssyncadd.s32 $0xFFFFF700  }
0x108: {  	[hbm4b:s21+s19] =	stream.strided.scatter [tilespmem:s25], [sflag:$0x7], $0x3200, s20, s19, $0x38;
	[tilespmem:$0x1A080] =	vst v63  }
0x109: {  	_ =	swait.ge [sflag:s31], $0x1000  }
0x10a: {  	[sflag:s31] =	ssyncset.done $0x0  }
0x10b: {  	[sflag:s31] =	ssyncadd.s32 $0xFFFFF000  }
0x10c: {  	_ =	swait.ge [sflag:s31], $0x900  }
0x10d: {  	s8 =	sadd.s32 $0xC80, s8;
	[sflag:s31] =	ssyncset.done $0x0  }
0x10e: {  	p0 =	sne.s32 s8, $0x19000;
	[sflag:s31] =	ssyncadd.s32 $0xFFFFF700  }
.Ltmp0:
0x10f: {  	_ =	swait.ge [sflag:s31], $0x1000;
	(pc) =	sbr.rel @p0 .LBB2_2-.Ltmp0, $4  }
0x110: {  	[sflag:s31] =	ssyncset.done $0x0  }
0x111: {  	[sflag:s31] =	ssyncadd.s32 $0xFFFFF000  }
0x112: {  	s10 =	smov.u32 s6;
	p1 =	seq.s32 s7, $0x0;
	_ =	swait.ge [sflag:s31], $0x900  }
0x113: {  	s11 =	sadd.s32 $0xC84, s10;
	s6 =	sadd.s32 $0x1900, s6;
	[sflag:s31] =	ssyncset.done $0x0  }
0x114: {  	s0 =	simm.s32 @!p1 $0x6;
	[sflag:s31] =	ssyncadd.s32 $0xFFFFF700  }
0x115: {  	[hbm4b:s11+s19] =	stream.strided.scatter [tilespmem:s26], [sflag:$0x9], $0x3200, s20, s19, $0x38;
	[tilespmem:$0x1A080] =	vst v63  }
0x116: {  	_ =	swait.ge @!p1 [sflag:s0], $0x3200  }
0x117: {  	s8 =	sshra.s32 s7, $0x2;
	[sflag:s0] =	ssyncset.done @!p1 $0x0  }
0x118: {  	s11 =	sadd.s32 $0x1080, s8;
	[sflag:s0] =	ssyncadd.s32 @!p1 $0xFFFFCE00  }
0x119: {  	[tilespmem:s23], [sflag:$0x2] =	stream.indirect.gather [hbm4b:s4+s17], $0x20, s11, s17, $0xb8;
	[tilespmem:$0x1A080] =	vst v63  }
0x11a: {  	s12 =	sadd.s32 $0x1100, s8;
	s1 =	rddreg [dreg:$0x8]  }
0x11b: {  	[tilespmem:s1], [sflag:$0x2] =	stream.indirect.gather [hbm4b:s4+s24], $0x20, s12, s24, $0xb8;
	[tilespmem:$0x1A080] =	vst v63  }
0x11c: {  	s13 =	sadd.s32 $0x1148, s8;
	s9 =	rddreg [dreg:$0x9]  }
0x11d: {  	[tilespmem:s9], [sflag:$0x2] =	stream.indirect.gather [hbm4b:s4+s17], $0x20, s13, s17, $0xb8;
	[tilespmem:$0x1A080] =	vst v63  }
0x11e: {  	s21 =	sadd.s32 $0x11C8, s8;
	s14 =	rddreg [dreg:$0xa];
	s9 =	sshra.s32 @p1 s7, $0x2  }
0x11f: {  	[tilespmem:s14], [sflag:$0x2] =	stream.indirect.gather [hbm4b:s4+s24], $0x20, s21, s24, $0xb8;
	[tilespmem:$0x1A080] =	vst v63  }
0x120: {  	s0 =	simm.s32 @p1 $0x80;
	s1 =	simm.s32 @p1 $0x13C80;
	s10 =	sadd.s32 @p1 $0x7480, s9  }
0x121: {  	[tilespmem:s1], [sflag:$0x4] =	stream.indirect.gather @p1 [hbm4b:s5+s0], $0x20, s10, s0, $0xb8;
	[tilespmem:$0x1A080] =	vst v63  }
0x122: {  	s11 =	simm.s32 @p1 $0x14C80;
	s1 =	sadd.s32 @p1 $0x7500, s9;
	s10 =	simm.s32 @p1 $0x48  }
0x123: {  	[tilespmem:s11], [sflag:$0x4] =	stream.indirect.gather @p1 [hbm4b:s5+s10], $0x20, s1, s10, $0xb8;
	[tilespmem:$0x1A080] =	vst v63  }
0x124: {  	s1 =	sadd.s32 @p1 $0x7548, s9;
	s11 =	simm.s32 @p1 $0x15580  }
0x125: {  	[tilespmem:s11], [sflag:$0x4] =	stream.indirect.gather @p1 [hbm4b:s5+s0], $0x20, s1, s0, $0xb8;
	[tilespmem:$0x1A080] =	vst v63  }
0x126: {  	s0 =	sadd.s32 @p1 $0x75C8, s9;
	s1 =	simm.s32 @p1 $0x16580;
	s9 =	simm.s32 @!p1 $0x8  }
0x127: {  	[tilespmem:s1], [sflag:$0x4] =	stream.indirect.gather @p1 [hbm4b:s5+s10], $0x20, s0, s10, $0xb8;
	[tilespmem:$0x1A080] =	vst v63  }
0x128: {  	_ =	swait.ge @!p1 [sflag:s9], $0x3200  }
0x129: {  	s0 =	sshra.s32 @!p1 s7, $0x2;
	s1 =	simm.s32 @!p1 $0x13C80;
	[sflag:s9] =	ssyncset.done @!p1 $0x0  }
0x12a: {  	s7 =	sadd.s32 @!p1 $0x7480, s0;
	[sflag:s9] =	ssyncadd.s32 @!p1 $0xFFFFCE00;
	s9 =	simm.s32 @!p1 $0x80  }
0x12b: {  	[tilespmem:s1], [sflag:$0x4] =	stream.indirect.gather @!p1 [hbm4b:s5+s9], $0x20, s7, s9, $0xb8;
	[tilespmem:$0x1A080] =	vst v63  }
0x12c: {  	s10 =	simm.s32 @!p1 $0x48;
	s1 =	simm.s32 @!p1 $0x14C80;
	s7 =	sadd.s32 @!p1 $0x7500, s0  }
0x12d: {  	[tilespmem:s1], [sflag:$0x4] =	stream.indirect.gather @!p1 [hbm4b:s5+s10], $0x20, s7, s10, $0xb8;
	[tilespmem:$0x1A080] =	vst v63  }
0x12e: {  	s1 =	sadd.s32 @!p1 $0x7548, s0;
	s7 =	simm.s32 @!p1 $0x15580  }
0x12f: {  	[tilespmem:s7], [sflag:$0x4] =	stream.indirect.gather @!p1 [hbm4b:s5+s9], $0x20, s1, s9, $0xb8;
	[tilespmem:$0x1A080] =	vst v63  }
0x130: {  	s0 =	sadd.s32 @!p1 $0x75C8, s0;
	s1 =	simm.s32 @!p1 $0x16580  }
0x131: {  	[tilespmem:s1], [sflag:$0x4] =	stream.indirect.gather @!p1 [hbm4b:s5+s10], $0x20, s0, s10, $0xb8;
	[tilespmem:$0x1A080] =	vst v63  }
0x132: {  	s0 =	simm.s32 @!p1 $0x7  }
0x133: {  	_ =	swait.ge @!p1 [sflag:s0], $0x3200  }
0x134: {  	[sflag:s0] =	ssyncset.done @!p1 $0x0  }
0x135: {  	s10 =	sadd.s32 $0x1210, s8;
	[sflag:s0] =	ssyncadd.s32 @!p1 $0xFFFFCE00  }
0x136: {  	[tilespmem:s25], [sflag:$0x3] =	stream.indirect.gather [hbm4b:s4+s17], $0x20, s10, s17, $0xb8;
	[tilespmem:$0x1A080] =	vst v63  }
0x137: {  	s12 =	sadd.s32 $0x1290, s8;
	s11 =	rddreg [dreg:$0xb]  }
0x138: {  	[tilespmem:s11], [sflag:$0x3] =	stream.indirect.gather [hbm4b:s4+s24], $0x20, s12, s24, $0xb8;
	[tilespmem:$0x1A080] =	vst v63  }
0x139: {  	s14 =	sadd.s32 $0x12D8, s8;
	s13 =	rddreg [dreg:$0xc]  }
0x13a: {  	[tilespmem:s13], [sflag:$0x3] =	stream.indirect.gather [hbm4b:s4+s17], $0x20, s14, s17, $0xb8;
	[tilespmem:$0x1A080] =	vst v63  }
0x13b: {  	s9 =	sadd.s32 $0x1358, s8;
	s7 =	simm.s32 @!p1 $0x9;
	s21 =	rddreg [dreg:$0xd]  }
0x13c: {  	[tilespmem:s21], [sflag:$0x3] =	stream.indirect.gather [hbm4b:s4+s24], $0x20, s9, s24, $0xb8;
	[tilespmem:$0x1A080] =	vst v63  }
0x13d: {  	_ =	swait.ge @!p1 [sflag:s7], $0x3200  }
0x13e: {  	[sflag:s7] =	ssyncset.done @!p1 $0x0  }
0x13f: {  	s10 =	sadd.s32 $0x7610, s8;
	[sflag:s7] =	ssyncadd.s32 @!p1 $0xFFFFCE00  }
0x140: {  	[tilespmem:s26], [sflag:$0x5] =	stream.indirect.gather [hbm4b:s5+s17], $0x20, s10, s17, $0xb8;
	[tilespmem:$0x1A080] =	vst v63  }
0x141: {  	s12 =	sadd.s32 $0x7690, s8;
	s11 =	rddreg [dreg:$0xe]  }
0x142: {  	[tilespmem:s11], [sflag:$0x5] =	stream.indirect.gather [hbm4b:s5+s24], $0x20, s12, s24, $0xb8;
	[tilespmem:$0x1A080] =	vst v63  }
0x143: {  	s14 =	sadd.s32 $0x76D8, s8;
	s13 =	rddreg [dreg:$0xf]  }
0x144: {  	[tilespmem:s13], [sflag:$0x5] =	stream.indirect.gather [hbm4b:s5+s17], $0x20, s14, s17, $0xb8;
	[tilespmem:$0x1A080] =	vst v63  }
0x145: {  	s21 =	rddreg [dreg:$0x10];
	s7 =	sadd.s32 $0x7758, s8  }
0x146: {  	[tilespmem:s21], [sflag:$0x5] =	stream.indirect.gather [hbm4b:s5+s24], $0x20, s7, s24, $0xb8;
	[tilespmem:$0x1A080] =	vst v63  }
0x147: {  	_ =	swait.ge [sflag:s28], $0x1000  }
0x148: {  	[sflag:s28] =	ssyncset.done $0x0  }
0x149: {  	[sflag:s28] =	ssyncadd.s32 $0xFFFFF000  }
0x14a: {  	_ =	swait.ge [sflag:s28], $0x900  }
0x14b: {  	[sflag:s28] =	ssyncset.done $0x0  }
0x14c: {  	[sflag:s28] =	ssyncadd.s32 $0xFFFFF700  }
0x14d: {  	_ =	swait.ge [sflag:s28], $0x1000  }
0x14e: {  	[sflag:s28] =	ssyncset.done $0x0  }
0x14f: {  	[sflag:s28] =	ssyncadd.s32 $0xFFFFF000  }
0x150: {  	_ =	swait.ge [sflag:s28], $0x900  }
0x151: {  	[sflag:s28] =	ssyncset.done $0x0  }
0x152: {  	[sflag:s28] =	ssyncadd.s32 $0xFFFFF700  }
0x153: {  	[hbm4b:s6+s19] =	stream.strided.scatter [tilespmem:s23], [sflag:$0x6], $0x3200, s20, s19, $0x38;
	[tilespmem:$0x1A080] =	vst v63  }
0x154: {  	_ =	swait.ge [sflag:s29], $0x1000  }
0x155: {  	[sflag:s29] =	ssyncset.done $0x0  }
0x156: {  	[sflag:s29] =	ssyncadd.s32 $0xFFFFF000  }
0x157: {  	_ =	swait.ge [sflag:s29], $0x900  }
0x158: {  	[sflag:s29] =	ssyncset.done $0x0  }
0x159: {  	[sflag:s29] =	ssyncadd.s32 $0xFFFFF700  }
0x15a: {  	_ =	swait.ge [sflag:s29], $0x1000  }
0x15b: {  	[sflag:s29] =	ssyncset.done $0x0  }
0x15c: {  	[sflag:s29] =	ssyncadd.s32 $0xFFFFF000  }
0x15d: {  	_ =	swait.ge [sflag:s29], $0x900  }
0x15e: {  	[sflag:s29] =	ssyncset.done $0x0  }
0x15f: {  	s9 =	sadd.s32 $0x4, s6;
	s8 =	rddreg [dreg:$0x11];
	[sflag:s29] =	ssyncadd.s32 $0xFFFFF700  }
0x160: {  	[hbm4b:s9+s19] =	stream.strided.scatter [tilespmem:s8], [sflag:$0x8], $0x3200, s20, s19, $0x38;
	[tilespmem:$0x1A080] =	vst v63  }
0x161: {  	_ =	swait.ge [sflag:s30], $0x1000  }
0x162: {  	[sflag:s30] =	ssyncset.done $0x0  }
0x163: {  	[sflag:s30] =	ssyncadd.s32 $0xFFFFF000  }
0x164: {  	_ =	swait.ge [sflag:s30], $0x900  }
0x165: {  	[sflag:s30] =	ssyncset.done $0x0  }
0x166: {  	[sflag:s30] =	ssyncadd.s32 $0xFFFFF700  }
0x167: {  	_ =	swait.ge [sflag:s30], $0x1000  }
0x168: {  	[sflag:s30] =	ssyncset.done $0x0  }
0x169: {  	[sflag:s30] =	ssyncadd.s32 $0xFFFFF000  }
0x16a: {  	_ =	swait.ge [sflag:s30], $0x900  }
0x16b: {  	[sflag:s30] =	ssyncset.done $0x0  }
0x16c: {  	s10 =	sadd.s32 $0xC80, s6;
	[sflag:s30] =	ssyncadd.s32 $0xFFFFF700  }
0x16d: {  	[hbm4b:s10+s19] =	stream.strided.scatter [tilespmem:s25], [sflag:$0x7], $0x3200, s20, s19, $0x38;
	[tilespmem:$0x1A080] =	vst v63  }
0x16e: {  	_ =	swait.ge [sflag:s31], $0x1000  }
0x16f: {  	[sflag:s31] =	ssyncset.done $0x0  }
0x170: {  	[sflag:s31] =	ssyncadd.s32 $0xFFFFF000  }
0x171: {  	_ =	swait.ge [sflag:s31], $0x900  }
0x172: {  	[sflag:s31] =	ssyncset.done $0x0  }
0x173: {  	[sflag:s31] =	ssyncadd.s32 $0xFFFFF700  }
0x174: {  	_ =	swait.ge [sflag:s31], $0x1000  }
0x175: {  	[sflag:s31] =	ssyncset.done $0x0  }
0x176: {  	[sflag:s31] =	ssyncadd.s32 $0xFFFFF000  }
0x177: {  	_ =	swait.ge [sflag:s31], $0x900  }
0x178: {  	[sflag:s31] =	ssyncset.done $0x0  }
0x179: {  	s11 =	sadd.s32 $0xC84, s6;
	s12 =	simm.s32 $0x6;
	[sflag:s31] =	ssyncadd.s32 $0xFFFFF700  }
0x17a: {  	[hbm4b:s11+s19] =	stream.strided.scatter [tilespmem:s26], [sflag:$0x9], $0x3200, s20, s19, $0x38;
	[tilespmem:$0x1A080] =	vst v63  }
0x17b: {  	_ =	swait.ge [sflag:s12], $0x3200  }
0x17c: {  	[sflag:s12] =	ssyncset.done $0x0  }
0x17d: {  	s13 =	simm.s32 $0x8;
	[sflag:s12] =	ssyncadd.s32 $0xFFFFCE00  }
0x17e: {  	_ =	swait.ge [sflag:s13], $0x3200  }
0x17f: {  	[sflag:s13] =	ssyncset.done $0x0  }
0x180: {  	s14 =	simm.s32 $0x7;
	[sflag:s13] =	ssyncadd.s32 $0xFFFFCE00  }
0x181: {  	_ =	swait.ge [sflag:s14], $0x3200  }
0x182: {  	[sflag:s14] =	ssyncset.done $0x0  }
0x183: {  	[sflag:s14] =	ssyncadd.s32 $0xFFFFCE00  }
0x184: {  	_ =	swait.ge [sflag:s22], $0x3200  }
0x185: {  	s3 =	sadd.s32 $0x1, s3;
	s21 =	rddreg [dreg:$0x1b]  }
0x186: {  	p0 =	sne.s32 s3, s21  }
.Ltmp1:
0x187: {  	_ = 	snop;
	(pc) =	sbr.rel @p0 .LBB2_1-.Ltmp1, $3  }
0x188: {  	_ =	sdelay $0x1  }
0x189: {  	[sflag:s22] =	ssyncset.done $0x0  }
0x18a: {  	[sflag:s22] =	ssyncadd.s32 $0xFFFFCE00  }
0x18b: {  	_ =	sfence.sel $0x180000  }
0x18c: {  	[bflag:$0x0] =	sbarrier.arrive $0xFFFF  }
0x18d: {  	_ =	strace $0x90000047  }
0x18e: {  	s0 =	stileid.u32;
	[bflag:$0x2] =	sbarrier.arrive $0xFFFF  }
0x18f: {  	p0 =	sne.s32 s0, $0x0;
	s0 =	rddreg [dreg:$0x7]  }
0x190: {  	s0 =	sadd.s32 @!p0 $0x100000, s0  }
0x191: {  	[sflag:s0] =	ssyncadd.tile.s32 @!p0 $0x1;
	_ =	shalt  }
.Lfunc_end2:
_tile_overlayer_lowered:
.L_overlay_start_2:
0x192: {  	(tag) =	ssettag $0x2  }
0x193: {  	s0 =	rddreg [dreg:$0x0];
	s2 =	stileid.u32  }
0x194: {  	s1 =	rddreg [dreg:$0x1];
	p0 =	sne.s32 s2, $0x0  }
0x195: {  	s3 =	rddreg [dreg:$0x2];
	[bflag:$0x3] =	sbarrier.arrive $0xFFFF;
	s2 =	simm.s32 @!p0 $0x1C0A  }
0x196: {  	[timem:s3], [sflag:s2] =	dma.local @!p0 [hbm:s0], s1  }
0x197: {  	s0 =	simm.s32 @!p0 $0xA  }
0x198: {  	_ =	swait.ge @!p0 [sflag:s0], s1  }
0x199: {  	s1 =	ssub.s32 @!p0 $0x0, s1;
	[sflag:s0] =	ssyncset.done @!p0 $0x0  }
0x19a: {  	[sflag:s0] =	ssyncadd.s32 @!p0 s1  }
0x19b: {  	[bflag:$0x3] =	sbarrier.arrive $0xFFFF  }
0x19c: {  	_ =	shalt  }

// kernel: sparse-core-data-format-call.cloned.1.call-start
scs
called_computation_lowered:
.L_overlay_start_0:
0x0: {  	s2 =	sld [smem:$0x3FD9]  }
0x1: {  	s3 =	sld [smem:$0x3FFE];
	_ =	sdelay $0x1  }
0x2: {  	s1 =	srdreg.scid  }
0x3: {  	s0 =	sand.u32 $0x1, s1  }
0x4: {  	s15 =	sshll.u32 s0, $0xA;
	s2 =	sadd.s32 s3, s2  }
0x5: {  	s2 =	sadd.s32 s2, s15  }
0x6: {  	[smem:$0x3FC0] =	sst s2  }
0x7: {  	_ = 	snop  }
0x8: {  	s2 =	sld [smem:$0x3FD0];
	_ =	sdelay $0x2  }
0x9: {  	s16 =	simm.s32 $0xA;
	s4 =	simm.s32 $0x10  }
0xa: {  	[smem:s4], [sflag:s16] =	dma.local [hbm:s2], $0x1  }
0xb: {  	_ =	swait.eq [sflag:s16], $0x1  }
0xc: {  	[sflag:s16] =	ssyncset.done $0x0  }
0xd: {  	[sflag:s16] =	ssyncadd.s32 $0xFFFFFFFF  }
0xe: {  	s17 =	sld [smem:$0x12];
	(tm) =	ssettm $0x1  }
0xf: {  	s18 =	sld [smem:$0x3FFB];
	_ =	sdelay $0x3  }
0x10: {  	_ =	strace s18  }
0x11: {  	s3 =	sld [smem:$0x3FFC];
	_ =	sdelay $0x3  }
0x12: {  	_ =	strace s3  }
0x13: {  	s3 =	sld [smem:$0x3FFD];
	_ =	sdelay $0x3  }
0x14: {  	_ =	strace s3  }
0x15: {  	_ =	strace $0x8FFFFFFF  }
0x16: {  	s19 =	sld [smem:$0x3FDB];
	_ =	sdelay $0x1  }
0x17: {  	s20 =	simm.s32 $_scs_section_size  }
0x18: {  	s5 =	simm.s32 $_size__tile_overlayer_lowered;
	s6 =	simm.s32 $_tile_overlayer_lowered  }
0x19: {  	s23 =	simm.s32 $0x1BFF;
	s22 =	sshll.u32 s6, $0x1;
	s3 =	sadd.s32 s20, s19  }
0x1a: {  	s7 =	simm.s32 $0x0;
	s21 =	sshll.u32 s5, $0x1;
	s5 =	sadd.s32 s22, s3  }
0x1b: {  	[timem:s7], [sflag:s23] =	dma.local [hbm:s5], s21  }
0x1c: {  	_ =	swait.ge [sflag:s23], s21  }
0x1d: {  	s4 =	ssub.s32 $0x0, s21;
	[sflag:s23] =	ssyncset.done $0x0  }
0x1e: {  	[sflag:s23] =	ssyncadd.s32 s4;
	_ =	sdelay $0x1  }
0x1f: {  	s24 =	simm.s32 $0x1B8B  }
0x20: {  	_ =	swait.ge [sflag:s24], $0x1  }
0x21: {  	[sflag:s24] =	ssyncset.done $0x0  }
0x22: {  	s26 =	simm.s32 $0x1B8E;
	s25 =	sld [smem:$0x3FFE];
	[sflag:s24] =	ssyncadd.s32 $0xFFFFFFFF  }
0x23: {  	s27 =	simm.s32 $execute0_lowered;
	[smem:$0x3FD2] =	sst s26  }
0x24: {  	s5 =	sshll.u32 s27, $0x1;
	_ =	strace $0x80000049;
	[dreg:$0x1] =	wrdreg $0xFFFFFFFF  }
0x25: {  	s28 =	simm.s32 $_size_execute0_lowered;
	s3 =	sadd.s32 s3, s5;
	[dreg:$0x0] =	wrdreg $0x0  }
0x26: {  	s5 =	sshll.u32 s28, $0x1;
	[dreg:$0x2] =	wrdreg s3  }
0x27: {  	[dreg:$0x3] =	wrdreg s5  }
0x28: {  	[dreg:$0x4] =	wrdreg $0xC0  }
0x29: {  	_ =	task [dreg:s7], $0x5FFFF  }
0x2a: {  	[dreg:$0x1] =	wrdreg $0xFFFFFFFF  }
0x2b: {  	[dreg:$0x0] =	wrdreg $0x60  }
0x2c: {  	[dreg:$0x2] =	wrdreg s25  }
0x2d: {  	[dreg:$0x3] =	wrdreg s17  }
0x2e: {  	[dreg:$0x4] =	wrdreg $0x9  }
0x2f: {  	_ =	task.clear_ibuf [dreg:s7], $0x5FFFF;
	_ =	strace $0x90000049  }
0x30: {  	s29 =	simm.s32 $0x9;
	_ =	strace $0x8000004B  }
0x31: {  	_ =	swait.ge [sflag:s29], $0x1  }
0x32: {  	[sflag:s29] =	ssyncadd.s32 $0xFFFFFFFF  }
0x33: {  	_ =	strace $0x9000004B  }
0x34: {  	_ =	sfence  }
0x35: {  	s30 =	sld [smem:$0x0];
	_ =	sdelay $0x2  }
0x36: {  	s31 =	sshll.u32 s1, $0xD;
	s1 =	sshrl.u32 s1, $0x2  }
0x37: {  	s3 =	sand.u32 $0x4000, s31;
	s1 =	sadd.s32 s1, s30  }
0x38: {  	s0 =	sor.u32 s3, s0;
	s1 =	sshll.u32 s1, $0x11  }
0x39: {  	s0 =	sor.u32 s1, s0  }
0x3a: {  	s0 =	sadd.s32 $0x8F2B, s0  }
0x3b: {  	[sflag:s0] =	ssyncadd.remote.s32 $0x1  }
0x3c: {  	_ =	sfence.sel $0xFFFF  }
0x3d: {  	[dreg:$0x0] =	wrdreg $0xFFFFFFFF;
	(pc) =	sbr.abs _section_cstart, $3  }
0x3e: {  	[dreg:$0x1] =	wrdreg $0xFFFFFFFF  }
0x3f: {  	_ =	task.clear_ibuf [dreg:s7], $0x2FFFF;
	_ =	strace $0x9FFFFFFF  }
0x40: {  	(tm) =	ssettm $0x7FFFFFFF  }
0x41: {  	_ =	shalt  }
tec
execute0_lowered:
.L_overlay_start_1:
0x0: {  	(tag) =	ssettag $0x1  }
0x1: {  	s0 =	srdreg.scid  }
0x2: {  	s1 =	sshll.u32 s0, $0x4  }
0x3: {  	s0 =	stileid.u32;
	s1 =	sand.u32 $0x10, s1  }
0x4: {  	s1 =	sor.u32 s0, s1  }
0x5: {  	s6 =	rddreg [dreg:$0x0];
	s4 =	simm.s32 $0x1;
	s2 =	sshll.u32 s1, $0x7  }
0x6: {  	s7 =	simm.s32 $0x2;
	s12 =	simm.s32 $0x0;
	s1 =	ssub.s32 $0x1000, s2  }
0x7: {  	s8 =	simm.s32 $0x8000;
	s13 =	simm.s32 $0x0;
	s3 =	sand.u32 $0xF80, s1  }
0x8: {  	s9 =	simm.s32 $0x0;
	s5 =	sshrl.u32 s1, $0xC;
	p0 =	sne.s32 s3, $0x0  }
.Ltmp0:
0x9: {  	s1 =	rddreg [dreg:$0x2];
	s4 =	simm.s32 @!p0 $0x0;
	(pc) =	sbr.rel .LBB1_1-.Ltmp0, $4  }
0xa: {  	s11 =	simm.s32 $0x0;
	s3 =	rddreg [dreg:$0x1];
	s5 =	sadd.s32 s4, s5  }
0xb: {  	_ =	strace $0x8000004A;
	s4 =	simm.s32 $0x1;
	s5 =	smul.u32 $0xC8, s5  }
0xc: {  	s6 =	sadd.s32 $0x1600, s6;
	s10 =	smov.u32 s2;
	[sflag:s4] =	ssyncpa.u1 $0x0  }
0xd: {  	p0 =	por $0x0, $0x0;
	[sflag:s7] =	ssyncpa.u1 $0x0;
	s7 =	sor.u32 $0x1, s5  }
.LBB1_4:
0xe: {  	s16 =	sshll.u32 s13, $0x3;
	s17 =	sand.u32 $0x78, s13  }
0xf: {  	s30 =	sand.u32 $0x7E00, s13;
	s12 =	sshll.u32 s12, $0xF;
	s16 =	sand.u32 $0xC00, s16  }
0x10: {  	[tilespmem:s15+$0x810 ss:$0x81] =	vst.msk $0xffff, v2;
	s31 =	sand.u32 $0x7, s13;
	s16 =	sor.u32 s17, s16;
	s17 =	sadd.s32 s3, s30  }
0x11: {  	[tilespmem:s15+$0x1020 ss:$0x81] =	vst.msk $0xffff, v0;
	s13 =	sshll.u32 s31, $0x12;
	s12 =	sadd.s32 s12, s17;
	s16 =	sshrl.u32 s16, $0x3  }
0x12: {  	[tilespmem:s15+$0x0 ss:$0x81] =	vst.msk $0xffff, v1;
	s13 =	sor.u32 $0x400, s13;
	s12 =	sadd.s32 s16, s12  }
0x13: {  	[hbm4b:s12+s13] =	stream.strided.scatter [tilespmem:s14], [sflag:$0x2], $0x2000, s8, s13, $0x20;
	[tilespmem:$0x8080] =	vst v63  }
.LBB1_5:
0x14: {  	s14 =	sadd.s32 $0x1, s9  }
0x15: {  	s12 =	sadd.s32 $0x1000, s10;
	s16 =	smov.u32 s10;
	p2 =	sgt.s32 s14, $0xC7  }
0x16: {  	s16 =	smov.u32 @p2 s12  }
0x17: {  	s14 =	simm.s32 @p2 $0x0;
	p2 =	sgt.s32 s16, $0xFFF  }
0x18: {  	s16 =	smov.u32 @p2 s2;
	p2 =	sne.s32 s11, s7  }
.Ltmp1:
0x19: {  	p1 =	slt.u32 s11, $0x2;
	(pc) =	sbr.rel @!p2 .LBB1_6-.Ltmp1, $4  }
0x1a: {  	s15 =	simm.s32 @!p1 $0x2  }
0x1b: {  	s13 =	smov.u32 s10;
	p0 =	por !p0, !p0;
	_ =	swait.ge @!p1 [sflag:s15], $0x2000  }
0x1c: {  	s12 =	smov.u32 s9;
	[sflag:s15] =	ssyncset.done @!p1 $0x0;
	s9 =	smov.u32 s14  }
0x1d: {  	s11 =	sadd.s32 $0x1, s11;
	[sflag:s15] =	ssyncadd.s32 @!p1 $0xFFFFE000;
	s10 =	smov.u32 s16  }
.LBB1_1:
0x1e: {  	p1 =	sge.u32 s11, s5  }
0x1f: {  	s14 =	sand.u32 @!p1 $0x1FFFFFF, s9  }
0x20: {  	s15 =	smulhi.u32 @!p1 $0x147AE15, s14;
	_ =	sdelay $0x1  }
0x21: {  	s15 =	smul.u32 @!p1 $0xC8, s15  }
0x22: {  	s16 =	sxor.u32 @!p1 $0xFFFFFFFF, s11;
	s17 =	smul.u32 @!p1 $0xC80, s10  }
0x23: {  	s31 =	sadd.s32 $0xFFFFFFFF, s11;
	s16 =	sshll.u32 @!p1 s16, $0xD;
	s14 =	ssub.s32 @!p1 s14, s15  }
0x24: {  	s15 =	sand.u32 @!p1 $0x2000, s16;
	s16 =	sadd.s32 @!p1 s6, s17;
	s14 =	sshll.u32 @!p1 s14, $0x4  }
0x25: {  	s17 =	simm.s32 @!p1 $0x6400;
	s14 =	sadd.s32 @!p1 s14, s16;
	s16 =	simm.s32 @!p1 $0x40  }
0x26: {  	[tilespmem:s15], [sflag:$0x1] =	stream.strided.gather @!p1 [hbm4b:s14+s16], $0x2000, s17, s16, $0x38;
	[tilespmem:$0x8080] =	vst v63  }
0x27: {  	p1 =	sge.u32 s31, s5  }
.Ltmp2:
0x28: {  	_ = 	snop;
	(pc) =	sbr.rel @p1 .LBB1_5-.Ltmp2, $1  }
0x29: {  	_ =	sdelay $0x3  }
0x2a: {  	s14 =	simm.s32 $0x1  }
0x2b: {  	_ =	swait.ge [sflag:s4], $0x2000;
	s14 =	simm.s32 @!p0 $0x0  }
0x2c: {  	[sflag:s4] =	ssyncset.done $0x0;
	s15 =	sshll.u32 s14, $0xD  }
0x2d: {  	[sflag:s4] =	ssyncadd.s32 $0xFFFFE000;
	s18 =	sor.u32 $0x20, s15  }
0x2e: {  	s14 =	smul.u32 $0x8100, s14;
	v3 =	vld [tilespmem:s18+$0x10]  }
0x2f: {  	s30 =	sand.u32 $0x1, s11;
	v2 =	vld [tilespmem:s18+$0xFFFFFFF0]  }
0x30: {  	s15 =	smul.u32 $0x8100, s30;
	s14 =	sshrl.u32 s14, $0x2;
	v0 =	vld [tilespmem:s18+$0x0]  }
0x31: {  	v1 =	vld [tilespmem:s18+$0xFFFFFFE0];
	s16 =	sor.u32 $0x4000, s14  }
0x32: {  	s31 =	sshrl.u32 s15, $0x2;
	s15 =	sadd.s32 $0x0, s16  }
0x33: {  	s17 =	simm.s32 $0x4;
	s18 =	sadd.s32 $0x40, s18;
	s14 =	sor.u32 $0x4000, s31;
	[tilespmem:s15+$0x1830 ss:$0x81] =	vst.msk $0xffff, v3  }
.LBB1_3:
0x34: {  	v3 =	vld [tilespmem:s18+$0x10];
	p1 =	sne.s32 s17, $0x1FC;
	[tilespmem:s15+$0x810 ss:$0x81] =	vst.msk $0xffff, v2;
	s19 =	smov.u32 s17;
	s17 =	sadd.s32 $0x4, s17  }
.Ltmp3:
0x35: {  	v2 =	vld [tilespmem:s18+$0xFFFFFFF0];
	[tilespmem:s15+$0x1020 ss:$0x81] =	vst.msk $0xffff, v0;
	(pc) =	sbr.rel @p1 .LBB1_3-.Ltmp3, $4  }
0x36: {  	v0 =	vld [tilespmem:s18+$0x0];
	[tilespmem:s15+$0x0 ss:$0x81] =	vst.msk $0xffff, v1  }
0x37: {  	s15 =	sshra.s32 s19, $0x2;
	v1 =	vld [tilespmem:s18+$0xFFFFFFE0]  }
0x38: {  	s15 =	sadd.s32 s15, s16  }
0x39: {  	s18 =	sadd.s32 $0x40, s18;
	[tilespmem:s15+$0x1830 ss:$0x81] =	vst.msk $0xffff, v3  }
.Ltmp4:
0x3a: {  	_ = 	snop;
	(pc) =	sbr.rel .LBB1_4-.Ltmp4, $1  }
0x3b: {  	_ =	sdelay $0x3  }
.LBB1_6:
0x3c: {  	_ =	sfence.sel $0x180000  }
0x3d: {  	s2 =	simm.s32 $0x1;
	[bflag:$0x0] =	sbarrier.arrive $0xFFFF  }
0x3e: {  	s31 =	simm.s32 $0x2;
	[sflag:s2] =	ssyncpa.u1 $0x1  }
0x3f: {  	[sflag:s31] =	ssyncpa.u1 $0x1  }
0x40: {  	p0 =	sne.s32 s0, $0x0;
	_ =	strace $0x9000004A  }
0x41: {  	s0 =	sadd.s32 @!p0 $0x100000, s1;
	[bflag:$0x2] =	sbarrier.arrive $0xFFFF  }
0x42: {  	[sflag:s0] =	ssyncadd.tile.s32 @!p0 $0x1;
	_ =	shalt  }
.Lfunc_end1:
_tile_overlayer_lowered:
.L_overlay_start_2:
0x43: {  	(tag) =	ssettag $0x2  }
0x44: {  	s0 =	rddreg [dreg:$0x0];
	s2 =	stileid.u32  }
0x45: {  	s1 =	rddreg [dreg:$0x1];
	p0 =	sne.s32 s2, $0x0  }
0x46: {  	s3 =	rddreg [dreg:$0x2];
	[bflag:$0x3] =	sbarrier.arrive $0xFFFF;
	s2 =	simm.s32 @!p0 $0x1C01  }
0x47: {  	[timem:s3], [sflag:s2] =	dma.local @!p0 [hbm:s0], s1  }
0x48: {  	s0 =	simm.s32 @!p0 $0x1  }
0x49: {  	_ =	swait.ge @!p0 [sflag:s0], s1  }
0x4a: {  	s1 =	ssub.s32 @!p0 $0x0, s1;
	[sflag:s0] =	ssyncset.done @!p0 $0x0  }
0x4b: {  	[sflag:s0] =	ssyncadd.s32 @!p0 s1  }
0x4c: {  	[bflag:$0x3] =	sbarrier.arrive $0xFFFF  }
0x4d: {  	_ =	shalt  }

</sc_bundles>
